<compile_context>
chip_gen: v7x
topology: tpu7x:2x2x1
jax: 0.10.2.dev20260603
libtpu: 0.0.44.dev20260713+nightly
codegen_flags: <defaults>
</compile_context>

<pallas_src>
import dataclasses
import functools

import jax
import jax.numpy as jnp
from jax import lax
from jax.experimental import pallas as pl
from jax.experimental.pallas import tpu as pltpu
from jax.experimental.pallas import tpu_sc as plsc

N_NODES = 65536
B = 16
P = 2048
D = 128
IN_FEAT = 2 * D

NC = 2
NS = 16
L = 16
NW = NC * NS
ROWS = B * P
ROWS_PER_TILE = ROWS // NW
CHUNK = 128
NCHUNK = ROWS_PER_TILE // CHUNK


def _gather_sc(graph1_x, graph2_x, idx_l, idx_r, g1_len, g2_len):
    mesh = plsc.VectorSubcoreMesh(core_axis_name="c", subcore_axis_name="s")
    cp = pltpu.CompilerParams()
    if "needs_layout_passes" in pltpu.CompilerParams.__dataclass_fields__:
        cp = dataclasses.replace(cp, needs_layout_passes=False)

    @functools.partial(
        pl.kernel,
        out_type=jax.ShapeDtypeStruct((ROWS, IN_FEAT), jnp.float32),
        mesh=mesh,
        compiler_params=cp,
        scratch_types=[
            pltpu.VMEM((L,), jnp.int32),
            pltpu.VMEM((L,), jnp.int32),
            pltpu.VMEM((ROWS_PER_TILE,), jnp.int32),
            pltpu.VMEM((ROWS_PER_TILE,), jnp.int32),
        ] + [pltpu.VMEM((CHUNK, D), jnp.float32) for _ in range(7)]
          + [pltpu.SemaphoreType.DMA for _ in range(14)],
    )
    def k(t1_hbm, t2_hbm, il_hbm, ir_hbm, l1_hbm, l2_hbm,
          o_hbm,
          len1_v, len2_v, il_v, ir_v, *bufs_and_sems):
        bufs = bufs_and_sems[:7]
        gsems = bufs_and_sems[7:14]
        wsems = bufs_and_sems[14:21]
        wid = lax.axis_index("s") * NC + lax.axis_index("c")
        base = wid * ROWS_PER_TILE
        bidx = wid // (P // ROWS_PER_TILE)

        pltpu.sync_copy(l1_hbm, len1_v)
        pltpu.sync_copy(l2_hbm, len2_v)
        pltpu.sync_copy(il_hbm.at[pl.ds(base, ROWS_PER_TILE)], il_v)
        pltpu.sync_copy(ir_hbm.at[pl.ds(base, ROWS_PER_TILE)], ir_v)

        mask = lax.iota(jnp.int32, L) < bidx
        zeros = jnp.zeros((L,), jnp.int32)
        off1 = jnp.sum(jnp.where(mask, len1_v[...], zeros))
        off2 = jnp.sum(jnp.where(mask, len2_v[...], zeros))

        @pl.loop(0, ROWS_PER_TILE, step=L)
        def _(j):
            il_v[pl.ds(j, L)] = il_v[pl.ds(j, L)] + off1
            ir_v[pl.ds(j, L)] = ir_v[pl.ds(j, L)] + off2

        jobs = []
        for c in range(NCHUNK):
            jobs.append((t1_hbm, il_v, 0, c))
            jobs.append((t2_hbm, ir_v, D, c))
        NJOBS = len(jobs)
        NBUF, K = 7, 5

        def gstart(j):
            tbl, iv, _, c = jobs[j]
            i = j % NBUF
            return pltpu.async_copy(
                tbl.at[iv.at[pl.ds(c * CHUNK, CHUNK)]], bufs[i], gsems[i])

        gd = [None] * NJOBS
        wd = [None] * NJOBS
        for j in range(K):
            gd[j] = gstart(j)
        for j in range(NJOBS):
            i = j % NBUF
            gd[j].wait()
            _, _, col, c = jobs[j]
            wd[j] = pltpu.async_copy(
                bufs[i],
                o_hbm.at[pl.ds(base + c * CHUNK, CHUNK), pl.ds(col, D)],
                wsems[i])
            jn = j + K
            if jn < NJOBS:
                if jn >= NBUF:
                    wd[jn - NBUF].wait()
                    wd[jn - NBUF] = None
                gd[jn] = gstart(jn)
        for j in range(NJOBS):
            if wd[j] is not None:
                wd[j].wait()

    return k(graph1_x, graph2_x, idx_l, idx_r, g1_len, g2_len)


def _mlp_tc(x, w1, b1, w2, b2, BLK=4096):

    def body(x_ref, w1_ref, b1_ref, w2_ref, b2_ref, o_ref):
        xb = x_ref[...].astype(jnp.bfloat16)
        w1b_ = w1_ref[...].astype(jnp.bfloat16)
        h = jnp.dot(xb, w1b_, preferred_element_type=jnp.float32) + b1_ref[...]
        h = jnp.maximum(h, 0.0)
        w2row = jnp.transpose(w2_ref[...])
        o_ref[...] = jnp.sum(h * w2row, axis=1, keepdims=True) + b2_ref[0, 0]

    return pl.pallas_call(
        body,
        grid=(ROWS // BLK,),
        in_specs=[
            pl.BlockSpec((BLK, IN_FEAT), lambda i: (i, 0)),
            pl.BlockSpec((IN_FEAT, IN_FEAT), lambda i: (0, 0)),
            pl.BlockSpec((1, IN_FEAT), lambda i: (0, 0)),
            pl.BlockSpec((IN_FEAT, 1), lambda i: (0, 0)),
            pl.BlockSpec((1, 1), lambda i: (0, 0)),
        ],
        out_specs=pl.BlockSpec((BLK, 1), lambda i: (i, 0)),
        out_shape=jax.ShapeDtypeStruct((ROWS, 1), jnp.float32),
        compiler_params=pltpu.CompilerParams(
            dimension_semantics=("parallel",)),
    )(x, w1, b1, w2, b2)


def kernel(graph1_x, graph2_x, idx_left, idx_right, g1_len, g2_len, W1, b1, W2, b2):
    il = idx_left.reshape(-1)
    ir = idx_right.reshape(-1)
    x = _gather_sc(graph1_x, graph2_x, il, ir, g1_len, g2_len)
    out = _mlp_tc(x, W1, b1.reshape(1, IN_FEAT), W2, b2.reshape(1, 1), BLK=8192)
    return out

# --- scband reference (transcript-rebuilt; emitter-appended) ---
"""Pipeline reference for scband-pipnet-73057393705341 (READ-ONLY COPY).

The authoritative reference and input builder live on the scoring server;
editing this copy changes nothing except your own understanding.
"""

import jax, jax.numpy as jnp
import numpy as np

N_NODES = 65536
B = 16
P = 2048
D = 128
IN_FEAT = 2 * D


def setup_inputs(seed: int = 0) -> dict:
    key = jax.random.key(seed)
    ks = [jax.random.fold_in(key, i) for i in range(12)]
    graph1_x = jax.random.normal(ks[0], (N_NODES, D), dtype=jnp.float32)
    graph2_x = jax.random.normal(ks[1], (N_NODES, D), dtype=jnp.float32)
    idx_left = jax.random.randint(ks[2], (B, P), 0, 4096, dtype=jnp.int64 if jax.config.jax_enable_x64 else jnp.int32).astype(jnp.int32)
    idx_right = jax.random.randint(ks[3], (B, P), 0, 4096).astype(jnp.int32)
    g1_len = jax.random.randint(ks[4], (B,), 0, 4096).astype(jnp.int32)
    g2_len = jax.random.randint(ks[5], (B,), 0, 4096).astype(jnp.int32)
    W1 = jax.random.normal(ks[6], (IN_FEAT, IN_FEAT), dtype=jnp.float32) * (1.0 / np.sqrt(IN_FEAT))
    b1 = jnp.zeros((IN_FEAT,), dtype=jnp.float32)
    W2 = jax.random.normal(ks[7], (IN_FEAT, 1), dtype=jnp.float32) * (1.0 / np.sqrt(IN_FEAT))
    b2 = jnp.zeros((1,), dtype=jnp.float32)
    return {"graph1_x": graph1_x, "graph2_x": graph2_x, "idx_left": idx_left,
            "idx_right": idx_right, "g1_len": g1_len, "g2_len": g2_len,
            "W1": W1, "b1": b1, "W2": W2, "b2": b2}


def reference(graph1_x, graph2_x, idx_left, idx_right, g1_len, g2_len, W1, b1, W2, b2):
    # Encoder is treated as identity: graph*_x are the already-encoded node features
    # (graph_1.x / graph_2.x in the original forward).
    base_l = jnp.cumsum(g1_len)
    base_r = jnp.cumsum(g2_len)
    # rows 1..B-1 get offset by cumulative length of preceding graphs (row 0 unchanged)
    off_l = jnp.concatenate([jnp.zeros((1,), dtype=base_l.dtype), base_l[:-1]])
    off_r = jnp.concatenate([jnp.zeros((1,), dtype=base_r.dtype), base_r[:-1]])
    il = (idx_left + off_l[:, None]).reshape(-1)
    ir = (idx_right + off_r[:, None]).reshape(-1)
    processed_left = jnp.take(graph1_x, il, axis=0)
    processed_right = jnp.take(graph2_x, ir, axis=0)
    x = jnp.concatenate([processed_left, processed_right], axis=1)
    h = jnp.maximum(x @ W1 + b1, 0.0)  # Linear + ReLU (Dropout is identity in eval)
    out = h @ W2 + b2
    return out

if __name__ == "__main__":
    import jax
    _d = setup_inputs()
    print(jax.jit(kernel)(*tuple(_d.values())))

</pallas_src>

<mosaic_0001>
#map = affine_map<(d0, d1) -> (0, 0)>
#map1 = affine_map<(d0, d1) -> (0)>
module attributes {stable_mosaic.version = 14 : i64} {
  func.func @k(%arg0: i32, %arg1: i32, %arg2: memref<65536x128xf32, #tpu.memory_space<hbm>>, %arg3: memref<65536x128xf32, #tpu.memory_space<hbm>>, %arg4: memref<32768xi32, #tpu.memory_space<hbm>>, %arg5: memref<32768xi32, #tpu.memory_space<hbm>>, %arg6: memref<16xi32, #tpu.memory_space<hbm>>, %arg7: memref<16xi32, #tpu.memory_space<hbm>>, %arg8: memref<32768x256xf32, #tpu.memory_space<hbm>>, %arg9: memref<16xi32, #tpu.memory_space<vmem>>, %arg10: memref<16xi32, #tpu.memory_space<vmem>>, %arg11: memref<1024xi32, #tpu.memory_space<vmem>>, %arg12: memref<1024xi32, #tpu.memory_space<vmem>>, %arg13: memref<128x128xf32, #tpu.memory_space<vmem>>, %arg14: memref<128x128xf32, #tpu.memory_space<vmem>>, %arg15: memref<128x128xf32, #tpu.memory_space<vmem>>, %arg16: memref<128x128xf32, #tpu.memory_space<vmem>>, %arg17: memref<128x128xf32, #tpu.memory_space<vmem>>, %arg18: memref<128x128xf32, #tpu.memory_space<vmem>>, %arg19: memref<128x128xf32, #tpu.memory_space<vmem>>, %arg20: memref<!tpu.dma_semaphore, #tpu.memory_space<semaphore_mem>>, %arg21: memref<!tpu.dma_semaphore, #tpu.memory_space<semaphore_mem>>, %arg22: memref<!tpu.dma_semaphore, #tpu.memory_space<semaphore_mem>>, %arg23: memref<!tpu.dma_semaphore, #tpu.memory_space<semaphore_mem>>, %arg24: memref<!tpu.dma_semaphore, #tpu.memory_space<semaphore_mem>>, %arg25: memref<!tpu.dma_semaphore, #tpu.memory_space<semaphore_mem>>, %arg26: memref<!tpu.dma_semaphore, #tpu.memory_space<semaphore_mem>>, %arg27: memref<!tpu.dma_semaphore, #tpu.memory_space<semaphore_mem>>, %arg28: memref<!tpu.dma_semaphore, #tpu.memory_space<semaphore_mem>>, %arg29: memref<!tpu.dma_semaphore, #tpu.memory_space<semaphore_mem>>, %arg30: memref<!tpu.dma_semaphore, #tpu.memory_space<semaphore_mem>>, %arg31: memref<!tpu.dma_semaphore, #tpu.memory_space<semaphore_mem>>, %arg32: memref<!tpu.dma_semaphore, #tpu.memory_space<semaphore_mem>>, %arg33: memref<!tpu.dma_semaphore, #tpu.memory_space<semaphore_mem>>) attributes {dimension_semantics = [#tpu.dimension_semantics<core_parallel>, #tpu.dimension_semantics<subcore_parallel>], iteration_bounds = array<i64: 2, 16>, scalar_prefetch = 0 : i64, scratch_operands = 25 : i64, tpu.core_type = #tpu.core_type<sc_vector_subcore>, window_params = [{transform_indices = #map}, {transform_indices = #map}, {transform_indices = #map1}, {transform_indices = #map1}, {transform_indices = #map1}, {transform_indices = #map1}, {transform_indices = #map}]} {
    %mul3A = arith.constant 2 : i32
    %mul3A_0 = arith.muli %arg1, %mul3A : i32
    %add3A = arith.addi %mul3A_0, %arg0 : i32
    %mul3A_1 = arith.constant 1024 : i32
    %mul3A_2 = arith.muli %add3A, %mul3A_1 : i32
    %jit3A = arith.constant 2 : i32
    %div3A = arith.divsi %add3A, %jit3A : i32
    %sign3A = arith.constant 0 : i32
    %sign3A_3 = arith.cmpi sgt, %add3A, %sign3A : i32
    %sign3A_4 = arith.extui %sign3A_3 : i1 to i32
    %sign3A_5 = arith.constant 0 : i32
    %sign3A_6 = arith.cmpi slt, %add3A, %sign3A_5 : i32
    %sign3A_7 = arith.extui %sign3A_6 : i1 to i32
    %sign3A_8 = arith.subi %sign3A_4, %sign3A_7 : i32
    %sign3A_9 = arith.constant 0 : i32
    %sign3A_10 = arith.cmpi sgt, %jit3A, %sign3A_9 : i32
    %sign3A_11 = arith.extui %sign3A_10 : i1 to i32
    %sign3A_12 = arith.constant 0 : i32
    %sign3A_13 = arith.cmpi slt, %jit3A, %sign3A_12 : i32
    %sign3A_14 = arith.extui %sign3A_13 : i1 to i32
    %sign3A_15 = arith.subi %sign3A_11, %sign3A_14 : i32
    %ne3A = arith.cmpi ne, %sign3A_8, %sign3A_15 : i32
    %rem3A = arith.remsi %add3A, %jit3A : i32
    %ne3A_16 = arith.constant 0 : i32
    %ne3A_17 = arith.cmpi ne, %rem3A, %ne3A_16 : i32
    %and3A = arith.andi %ne3A, %ne3A_17 : i1
    %sub3A = arith.constant 1 : i32
    %sub3A_18 = arith.subi %div3A, %sub3A : i32
    %select_n3A = arith.select %and3A, %sub3A_18, %div3A : i32
    "tpu.region"() ({
      %run_scoped3A = tpu.sem_alloc : memref<!tpu.dma_semaphore, #tpu.memory_space<semaphore_mem>>
      tpu.enqueue_dma source(%arg6 : memref<16xi32, #tpu.memory_space<hbm>>) target(%arg9 : memref<16xi32, #tpu.memory_space<vmem>>) target_semaphore(%run_scoped3A : memref<!tpu.dma_semaphore, #tpu.memory_space<semaphore_mem>>)
      tpu.wait_dma2 semaphore(%run_scoped3A : memref<!tpu.dma_semaphore, #tpu.memory_space<semaphore_mem>>) src(%arg6 : memref<16xi32, #tpu.memory_space<hbm>>) dst(%arg9 : memref<16xi32, #tpu.memory_space<vmem>>)
      tpu.yield
    }) : () -> ()
    "tpu.region"() ({
      %run_scoped3A = tpu.sem_alloc : memref<!tpu.dma_semaphore, #tpu.memory_space<semaphore_mem>>
      tpu.enqueue_dma source(%arg7 : memref<16xi32, #tpu.memory_space<hbm>>) target(%arg10 : memref<16xi32, #tpu.memory_space<vmem>>) target_semaphore(%run_scoped3A : memref<!tpu.dma_semaphore, #tpu.memory_space<semaphore_mem>>)
      tpu.wait_dma2 semaphore(%run_scoped3A : memref<!tpu.dma_semaphore, #tpu.memory_space<semaphore_mem>>) src(%arg7 : memref<16xi32, #tpu.memory_space<hbm>>) dst(%arg10 : memref<16xi32, #tpu.memory_space<vmem>>)
      tpu.yield
    }) : () -> ()
    "tpu.region"() ({
      %run_scoped3A = tpu.sem_alloc : memref<!tpu.dma_semaphore, #tpu.memory_space<semaphore_mem>>
      %dma_start3A_355 = tpu.memref_slice %arg4[%mul3A_2] : memref<32768xi32, #tpu.memory_space<hbm>> -> memref<1024xi32, #tpu.memory_space<hbm>>
      %dma_start3A_356 = tpu.memref_slice %arg4[%mul3A_2] : memref<32768xi32, #tpu.memory_space<hbm>> -> memref<1024xi32, #tpu.memory_space<hbm>>
      tpu.enqueue_dma source(%dma_start3A_356 : memref<1024xi32, #tpu.memory_space<hbm>>) target(%arg11 : memref<1024xi32, #tpu.memory_space<vmem>>) target_semaphore(%run_scoped3A : memref<!tpu.dma_semaphore, #tpu.memory_space<semaphore_mem>>)
      %dma_wait3A_357 = tpu.memref_slice %arg4[%mul3A_2] : memref<32768xi32, #tpu.memory_space<hbm>> -> memref<1024xi32, #tpu.memory_space<hbm>>
      %dma_wait3A_358 = tpu.memref_slice %arg4[%mul3A_2] : memref<32768xi32, #tpu.memory_space<hbm>> -> memref<1024xi32, #tpu.memory_space<hbm>>
      tpu.wait_dma2 semaphore(%run_scoped3A : memref<!tpu.dma_semaphore, #tpu.memory_space<semaphore_mem>>) src(%dma_wait3A_358 : memref<1024xi32, #tpu.memory_space<hbm>>) dst(%arg11 : memref<1024xi32, #tpu.memory_space<vmem>>)
      tpu.yield
    }) : () -> ()
    "tpu.region"() ({
      %run_scoped3A = tpu.sem_alloc : memref<!tpu.dma_semaphore, #tpu.memory_space<semaphore_mem>>
      %dma_start3A_355 = tpu.memref_slice %arg5[%mul3A_2] : memref<32768xi32, #tpu.memory_space<hbm>> -> memref<1024xi32, #tpu.memory_space<hbm>>
      %dma_start3A_356 = tpu.memref_slice %arg5[%mul3A_2] : memref<32768xi32, #tpu.memory_space<hbm>> -> memref<1024xi32, #tpu.memory_space<hbm>>
      tpu.enqueue_dma source(%dma_start3A_356 : memref<1024xi32, #tpu.memory_space<hbm>>) target(%arg12 : memref<1024xi32, #tpu.memory_space<vmem>>) target_semaphore(%run_scoped3A : memref<!tpu.dma_semaphore, #tpu.memory_space<semaphore_mem>>)
      %dma_wait3A_357 = tpu.memref_slice %arg5[%mul3A_2] : memref<32768xi32, #tpu.memory_space<hbm>> -> memref<1024xi32, #tpu.memory_space<hbm>>
      %dma_wait3A_358 = tpu.memref_slice %arg5[%mul3A_2] : memref<32768xi32, #tpu.memory_space<hbm>> -> memref<1024xi32, #tpu.memory_space<hbm>>
      tpu.wait_dma2 semaphore(%run_scoped3A : memref<!tpu.dma_semaphore, #tpu.memory_space<semaphore_mem>>) src(%dma_wait3A_358 : memref<1024xi32, #tpu.memory_space<hbm>>) dst(%arg12 : memref<1024xi32, #tpu.memory_space<vmem>>)
      tpu.yield
    }) : () -> ()
    %iota3A = tpu.iota {dimensions = array<i32: 0>} : vector<16xi32>
    %lt3A = vector.broadcast %select_n3A : i32 to vector<16xi32>
    %lt3A_19 = arith.cmpi slt, %iota3A, %lt3A : vector<16xi32>
    %broadcast_in_dim3A = arith.constant 0 : i32
    %broadcast_in_dim3A_20 = vector.broadcast %broadcast_in_dim3A : i32 to vector<16xi32>
    %get3A = arith.constant 0 : index
    %get3A_21 = tpu.vector_load %arg9[%get3A] {strides = array<i32>} : memref<16xi32, #tpu.memory_space<vmem>>, vector<16xi32>,
    %select_n3A_22 = arith.select %lt3A_19, %get3A_21, %broadcast_in_dim3A_20 : vector<16xi1>, vector<16xi32>
    %reduce_sum3A = arith.constant true
    %reduce_sum3A_23 = vector.broadcast %reduce_sum3A : i1 to vector<16xi1>
    %reduce_sum3A_24 = tpu.scan <sum>, %select_n3A_22 masked %reduce_sum3A_23 : vector<16xi32>, vector<16xi1> -> vector<16xi32>
    %reduce_sum3A_25 = vector.extract %reduce_sum3A_24[15] : i32 from vector<16xi32>
    %get3A_26 = arith.constant 0 : index
    %get3A_27 = tpu.vector_load %arg10[%get3A_26] {strides = array<i32>} : memref<16xi32, #tpu.memory_space<vmem>>, vector<16xi32>,
    %select_n3A_28 = arith.select %lt3A_19, %get3A_27, %broadcast_in_dim3A_20 : vector<16xi1>, vector<16xi32>
    %reduce_sum3A_29 = arith.constant true
    %reduce_sum3A_30 = vector.broadcast %reduce_sum3A_29 : i1 to vector<16xi1>
    %reduce_sum3A_31 = tpu.scan <sum>, %select_n3A_28 masked %reduce_sum3A_30 : vector<16xi32>, vector<16xi1> -> vector<16xi32>
    %reduce_sum3A_32 = vector.extract %reduce_sum3A_31[15] : i32 from vector<16xi32>
    %scan3A = arith.constant 0 : i32
    %scan3A_33 = arith.constant 64 : i32
    %scan3A_34 = arith.addi %scan3A, %scan3A_33 : i32
    %scan3A_35 = arith.constant 1 : i32
    scf.for %scan3A_355 = %scan3A to %scan3A_34 step %scan3A_35  : i32 {
      %mul3A_356 = arith.constant 16 : i32
      %mul3A_357 = arith.muli %scan3A_355, %mul3A_356 : i32
      %add3A_358 = arith.constant 0 : i32
      %add3A_359 = arith.addi %add3A_358, %mul3A_357 : i32
      %get3A_360 = arith.index_cast %add3A_359 : i32 to index
      %get3A_361 = tpu.vector_load %arg11[%get3A_360] {strides = array<i32>} : memref<1024xi32, #tpu.memory_space<vmem>>, vector<16xi32>,
      %add3A_362 = vector.broadcast %reduce_sum3A_25 : i32 to vector<16xi32>
      %add3A_363 = arith.addi %get3A_361, %add3A_362 : vector<16xi32>
      %swap3A = arith.index_cast %add3A_359 : i32 to index
      %swap3A_364 = tpu.vector_load %arg11[%swap3A] {strides = array<i32>} : memref<1024xi32, #tpu.memory_space<vmem>>, vector<16xi32>,
      tpu.vector_store %arg11[%swap3A], %add3A_363 {strides = array<i32>} : memref<1024xi32, #tpu.memory_space<vmem>>, vector<16xi32>,
      %get3A_365 = arith.index_cast %add3A_359 : i32 to index
      %get3A_366 = tpu.vector_load %arg12[%get3A_365] {strides = array<i32>} : memref<1024xi32, #tpu.memory_space<vmem>>, vector<16xi32>,
      %add3A_367 = vector.broadcast %reduce_sum3A_32 : i32 to vector<16xi32>
      %add3A_368 = arith.addi %get3A_366, %add3A_367 : vector<16xi32>
      %swap3A_369 = arith.index_cast %add3A_359 : i32 to index
      %swap3A_370 = tpu.vector_load %arg12[%swap3A_369] {strides = array<i32>} : memref<1024xi32, #tpu.memory_space<vmem>>, vector<16xi32>,
      tpu.vector_store %arg12[%swap3A_369], %add3A_368 {strides = array<i32>} : memref<1024xi32, #tpu.memory_space<vmem>>, vector<16xi32>,
    }
    %scan3A_36 = arith.constant 64 : i32
    %dma_start3A = arith.constant 0 : i32
    %dma_start3A_37 = tpu.memref_slice %arg11[%dma_start3A] : memref<1024xi32, #tpu.memory_space<vmem>> -> memref<128xi32, #tpu.memory_space<vmem>>
    %dma_start3A_38 = arith.constant 0 : i32
    %dma_start3A_39 = arith.constant 0 : i32
    %dma_start3A_40 = tpu.memref_slice %arg2[%dma_start3A_38, %dma_start3A_39] : memref<65536x128xf32, #tpu.memory_space<hbm>> -> memref<65536x128xf32, #tpu.memory_space<hbm>>
    tpu.enqueue_indirect_dma source(%dma_start3A_40 : memref<65536x128xf32, #tpu.memory_space<hbm>>) target(%arg13 : memref<128x128xf32, #tpu.memory_space<vmem>>) offsets(%dma_start3A_37 : memref<128xi32, #tpu.memory_space<vmem>>) semaphore(%arg20 : memref<!tpu.dma_semaphore, #tpu.memory_space<semaphore_mem>>)
    %dma_start3A_41 = arith.constant 0 : i32
    %dma_start3A_42 = tpu.memref_slice %arg12[%dma_start3A_41] : memref<1024xi32, #tpu.memory_space<vmem>> -> memref<128xi32, #tpu.memory_space<vmem>>
    %dma_start3A_43 = arith.constant 0 : i32
    %dma_start3A_44 = arith.constant 0 : i32
    %dma_start3A_45 = tpu.memref_slice %arg3[%dma_start3A_43, %dma_start3A_44] : memref<65536x128xf32, #tpu.memory_space<hbm>> -> memref<65536x128xf32, #tpu.memory_space<hbm>>
    tpu.enqueue_indirect_dma source(%dma_start3A_45 : memref<65536x128xf32, #tpu.memory_space<hbm>>) target(%arg14 : memref<128x128xf32, #tpu.memory_space<vmem>>) offsets(%dma_start3A_42 : memref<128xi32, #tpu.memory_space<vmem>>) semaphore(%arg21 : memref<!tpu.dma_semaphore, #tpu.memory_space<semaphore_mem>>)
    %dma_start3A_46 = arith.constant 128 : i32
    %dma_start3A_47 = tpu.memref_slice %arg11[%dma_start3A_46] : memref<1024xi32, #tpu.memory_space<vmem>> -> memref<128xi32, #tpu.memory_space<vmem>>
    %dma_start3A_48 = arith.constant 0 : i32
    %dma_start3A_49 = arith.constant 0 : i32
    %dma_start3A_50 = tpu.memref_slice %arg2[%dma_start3A_48, %dma_start3A_49] : memref<65536x128xf32, #tpu.memory_space<hbm>> -> memref<65536x128xf32, #tpu.memory_space<hbm>>
    tpu.enqueue_indirect_dma source(%dma_start3A_50 : memref<65536x128xf32, #tpu.memory_space<hbm>>) target(%arg15 : memref<128x128xf32, #tpu.memory_space<vmem>>) offsets(%dma_start3A_47 : memref<128xi32, #tpu.memory_space<vmem>>) semaphore(%arg22 : memref<!tpu.dma_semaphore, #tpu.memory_space<semaphore_mem>>)
    %dma_start3A_51 = arith.constant 128 : i32
    %dma_start3A_52 = tpu.memref_slice %arg12[%dma_start3A_51] : memref<1024xi32, #tpu.memory_space<vmem>> -> memref<128xi32, #tpu.memory_space<vmem>>
    %dma_start3A_53 = arith.constant 0 : i32
    %dma_start3A_54 = arith.constant 0 : i32
    %dma_start3A_55 = tpu.memref_slice %arg3[%dma_start3A_53, %dma_start3A_54] : memref<65536x128xf32, #tpu.memory_space<hbm>> -> memref<65536x128xf32, #tpu.memory_space<hbm>>
    tpu.enqueue_indirect_dma source(%dma_start3A_55 : memref<65536x128xf32, #tpu.memory_space<hbm>>) target(%arg16 : memref<128x128xf32, #tpu.memory_space<vmem>>) offsets(%dma_start3A_52 : memref<128xi32, #tpu.memory_space<vmem>>) semaphore(%arg23 : memref<!tpu.dma_semaphore, #tpu.memory_space<semaphore_mem>>)
    %dma_start3A_56 = arith.constant 256 : i32
    %dma_start3A_57 = tpu.memref_slice %arg11[%dma_start3A_56] : memref<1024xi32, #tpu.memory_space<vmem>> -> memref<128xi32, #tpu.memory_space<vmem>>
    %dma_start3A_58 = arith.constant 0 : i32
    %dma_start3A_59 = arith.constant 0 : i32
    %dma_start3A_60 = tpu.memref_slice %arg2[%dma_start3A_58, %dma_start3A_59] : memref<65536x128xf32, #tpu.memory_space<hbm>> -> memref<65536x128xf32, #tpu.memory_space<hbm>>
    tpu.enqueue_indirect_dma source(%dma_start3A_60 : memref<65536x128xf32, #tpu.memory_space<hbm>>) target(%arg17 : memref<128x128xf32, #tpu.memory_space<vmem>>) offsets(%dma_start3A_57 : memref<128xi32, #tpu.memory_space<vmem>>) semaphore(%arg24 : memref<!tpu.dma_semaphore, #tpu.memory_space<semaphore_mem>>)
    %dma_wait3A = arith.constant 0 : i32
    %dma_wait3A_61 = tpu.memref_slice %arg11[%dma_wait3A] : memref<1024xi32, #tpu.memory_space<vmem>> -> memref<128xi32, #tpu.memory_space<vmem>>
    %dma_wait3A_62 = arith.constant 0 : i32
    %dma_wait3A_63 = arith.constant 0 : i32
    %dma_wait3A_64 = tpu.memref_slice %arg2[%dma_wait3A_62, %dma_wait3A_63] : memref<65536x128xf32, #tpu.memory_space<hbm>> -> memref<65536x128xf32, #tpu.memory_space<hbm>>
    tpu.wait_indirect_dma semaphore(%arg20 : memref<!tpu.dma_semaphore, #tpu.memory_space<semaphore_mem>>) src(%dma_wait3A_64 : memref<65536x128xf32, #tpu.memory_space<hbm>>) dst(%arg13 : memref<128x128xf32, #tpu.memory_space<vmem>>)
    %add3A_65 = arith.constant 0 : i32
    %add3A_66 = arith.addi %mul3A_2, %add3A_65 : i32
    %dma_start3A_67 = arith.constant 0 : i32
    %dma_start3A_68 = tpu.memref_slice %arg8[%add3A_66, %dma_start3A_67] : memref<32768x256xf32, #tpu.memory_space<hbm>> -> memref<128x128xf32, #tpu.memory_space<hbm>>
    %dma_start3A_69 = arith.constant 0 : i32
    %dma_start3A_70 = tpu.memref_slice %arg8[%add3A_66, %dma_start3A_69] : memref<32768x256xf32, #tpu.memory_space<hbm>> -> memref<128x128xf32, #tpu.memory_space<hbm>>
    tpu.enqueue_dma source(%arg13 : memref<128x128xf32, #tpu.memory_space<vmem>>) target(%dma_start3A_70 : memref<128x128xf32, #tpu.memory_space<hbm>>) target_semaphore(%arg27 : memref<!tpu.dma_semaphore, #tpu.memory_space<semaphore_mem>>)
    %dma_start3A_71 = arith.constant 256 : i32
    %dma_start3A_72 = tpu.memref_slice %arg12[%dma_start3A_71] : memref<1024xi32, #tpu.memory_space<vmem>> -> memref<128xi32, #tpu.memory_space<vmem>>
    %dma_start3A_73 = arith.constant 0 : i32
    %dma_start3A_74 = arith.constant 0 : i32
    %dma_start3A_75 = tpu.memref_slice %arg3[%dma_start3A_73, %dma_start3A_74] : memref<65536x128xf32, #tpu.memory_space<hbm>> -> memref<65536x128xf32, #tpu.memory_space<hbm>>
    tpu.enqueue_indirect_dma source(%dma_start3A_75 : memref<65536x128xf32, #tpu.memory_space<hbm>>) target(%arg18 : memref<128x128xf32, #tpu.memory_space<vmem>>) offsets(%dma_start3A_72 : memref<128xi32, #tpu.memory_space<vmem>>) semaphore(%arg25 : memref<!tpu.dma_semaphore, #tpu.memory_space<semaphore_mem>>)
    %dma_wait3A_76 = arith.constant 0 : i32
    %dma_wait3A_77 = tpu.memref_slice %arg12[%dma_wait3A_76] : memref<1024xi32, #tpu.memory_space<vmem>> -> memref<128xi32, #tpu.memory_space<vmem>>
    %dma_wait3A_78 = arith.constant 0 : i32
    %dma_wait3A_79 = arith.constant 0 : i32
    %dma_wait3A_80 = tpu.memref_slice %arg3[%dma_wait3A_78, %dma_wait3A_79] : memref<65536x128xf32, #tpu.memory_space<hbm>> -> memref<65536x128xf32, #tpu.memory_space<hbm>>
    tpu.wait_indirect_dma semaphore(%arg21 : memref<!tpu.dma_semaphore, #tpu.memory_space<semaphore_mem>>) src(%dma_wait3A_80 : memref<65536x128xf32, #tpu.memory_space<hbm>>) dst(%arg14 : memref<128x128xf32, #tpu.memory_space<vmem>>)
    %add3A_81 = arith.constant 0 : i32
    %add3A_82 = arith.addi %mul3A_2, %add3A_81 : i32
    %dma_start3A_83 = arith.constant 128 : i32
    %dma_start3A_84 = tpu.memref_slice %arg8[%add3A_82, %dma_start3A_83] : memref<32768x256xf32, #tpu.memory_space<hbm>> -> memref<128x128xf32, #tpu.memory_space<hbm>>
    %dma_start3A_85 = arith.constant 128 : i32
    %dma_start3A_86 = tpu.memref_slice %arg8[%add3A_82, %dma_start3A_85] : memref<32768x256xf32, #tpu.memory_space<hbm>> -> memref<128x128xf32, #tpu.memory_space<hbm>>
    tpu.enqueue_dma source(%arg14 : memref<128x128xf32, #tpu.memory_space<vmem>>) target(%dma_start3A_86 : memref<128x128xf32, #tpu.memory_space<hbm>>) target_semaphore(%arg28 : memref<!tpu.dma_semaphore, #tpu.memory_space<semaphore_mem>>)
    %dma_start3A_87 = arith.constant 384 : i32
    %dma_start3A_88 = tpu.memref_slice %arg11[%dma_start3A_87] : memref<1024xi32, #tpu.memory_space<vmem>> -> memref<128xi32, #tpu.memory_space<vmem>>
    %dma_start3A_89 = arith.constant 0 : i32
    %dma_start3A_90 = arith.constant 0 : i32
    %dma_start3A_91 = tpu.memref_slice %arg2[%dma_start3A_89, %dma_start3A_90] : memref<65536x128xf32, #tpu.memory_space<hbm>> -> memref<65536x128xf32, #tpu.memory_space<hbm>>
    tpu.enqueue_indirect_dma source(%dma_start3A_91 : memref<65536x128xf32, #tpu.memory_space<hbm>>) target(%arg19 : memref<128x128xf32, #tpu.memory_space<vmem>>) offsets(%dma_start3A_88 : memref<128xi32, #tpu.memory_space<vmem>>) semaphore(%arg26 : memref<!tpu.dma_semaphore, #tpu.memory_space<semaphore_mem>>)
    %dma_wait3A_92 = arith.constant 128 : i32
    %dma_wait3A_93 = tpu.memref_slice %arg11[%dma_wait3A_92] : memref<1024xi32, #tpu.memory_space<vmem>> -> memref<128xi32, #tpu.memory_space<vmem>>
    %dma_wait3A_94 = arith.constant 0 : i32
    %dma_wait3A_95 = arith.constant 0 : i32
    %dma_wait3A_96 = tpu.memref_slice %arg2[%dma_wait3A_94, %dma_wait3A_95] : memref<65536x128xf32, #tpu.memory_space<hbm>> -> memref<65536x128xf32, #tpu.memory_space<hbm>>
    tpu.wait_indirect_dma semaphore(%arg22 : memref<!tpu.dma_semaphore, #tpu.memory_space<semaphore_mem>>) src(%dma_wait3A_96 : memref<65536x128xf32, #tpu.memory_space<hbm>>) dst(%arg15 : memref<128x128xf32, #tpu.memory_space<vmem>>)
    %add3A_97 = arith.constant 128 : i32
    %add3A_98 = arith.addi %mul3A_2, %add3A_97 : i32
    %dma_start3A_99 = arith.constant 0 : i32
    %dma_start3A_100 = tpu.memref_slice %arg8[%add3A_98, %dma_start3A_99] : memref<32768x256xf32, #tpu.memory_space<hbm>> -> memref<128x128xf32, #tpu.memory_space<hbm>>
    %dma_start3A_101 = arith.constant 0 : i32
    %dma_start3A_102 = tpu.memref_slice %arg8[%add3A_98, %dma_start3A_101] : memref<32768x256xf32, #tpu.memory_space<hbm>> -> memref<128x128xf32, #tpu.memory_space<hbm>>
    tpu.enqueue_dma source(%arg15 : memref<128x128xf32, #tpu.memory_space<vmem>>) target(%dma_start3A_102 : memref<128x128xf32, #tpu.memory_space<hbm>>) target_semaphore(%arg29 : memref<!tpu.dma_semaphore, #tpu.memory_space<semaphore_mem>>)
    %dma_wait3A_103 = arith.constant 0 : i32
    %dma_wait3A_104 = tpu.memref_slice %arg8[%add3A_66, %dma_wait3A_103] : memref<32768x256xf32, #tpu.memory_space<hbm>> -> memref<128x128xf32, #tpu.memory_space<hbm>>
    %dma_wait3A_105 = arith.constant 0 : i32
    %dma_wait3A_106 = tpu.memref_slice %arg8[%add3A_66, %dma_wait3A_105] : memref<32768x256xf32, #tpu.memory_space<hbm>> -> memref<128x128xf32, #tpu.memory_space<hbm>>
    tpu.wait_dma2 semaphore(%arg27 : memref<!tpu.dma_semaphore, #tpu.memory_space<semaphore_mem>>) src(%arg13 : memref<128x128xf32, #tpu.memory_space<vmem>>) dst(%dma_wait3A_106 : memref<128x128xf32, #tpu.memory_space<hbm>>)
    %dma_start3A_107 = arith.constant 384 : i32
    %dma_start3A_108 = tpu.memref_slice %arg12[%dma_start3A_107] : memref<1024xi32, #tpu.memory_space<vmem>> -> memref<128xi32, #tpu.memory_space<vmem>>
    %dma_start3A_109 = arith.constant 0 : i32
    %dma_start3A_110 = arith.constant 0 : i32
    %dma_start3A_111 = tpu.memref_slice %arg3[%dma_start3A_109, %dma_start3A_110] : memref<65536x128xf32, #tpu.memory_space<hbm>> -> memref<65536x128xf32, #tpu.memory_space<hbm>>
    tpu.enqueue_indirect_dma source(%dma_start3A_111 : memref<65536x128xf32, #tpu.memory_space<hbm>>) target(%arg13 : memref<128x128xf32, #tpu.memory_space<vmem>>) offsets(%dma_start3A_108 : memref<128xi32, #tpu.memory_space<vmem>>) semaphore(%arg20 : memref<!tpu.dma_semaphore, #tpu.memory_space<semaphore_mem>>)
    %dma_wait3A_112 = arith.constant 128 : i32
    %dma_wait3A_113 = tpu.memref_slice %arg12[%dma_wait3A_112] : memref<1024xi32, #tpu.memory_space<vmem>> -> memref<128xi32, #tpu.memory_space<vmem>>
    %dma_wait3A_114 = arith.constant 0 : i32
    %dma_wait3A_115 = arith.constant 0 : i32
    %dma_wait3A_116 = tpu.memref_slice %arg3[%dma_wait3A_114, %dma_wait3A_115] : memref<65536x128xf32, #tpu.memory_space<hbm>> -> memref<65536x128xf32, #tpu.memory_space<hbm>>
    tpu.wait_indirect_dma semaphore(%arg23 : memref<!tpu.dma_semaphore, #tpu.memory_space<semaphore_mem>>) src(%dma_wait3A_116 : memref<65536x128xf32, #tpu.memory_space<hbm>>) dst(%arg16 : memref<128x128xf32, #tpu.memory_space<vmem>>)
    %add3A_117 = arith.constant 128 : i32
    %add3A_118 = arith.addi %mul3A_2, %add3A_117 : i32
    %dma_start3A_119 = arith.constant 128 : i32
    %dma_start3A_120 = tpu.memref_slice %arg8[%add3A_118, %dma_start3A_119] : memref<32768x256xf32, #tpu.memory_space<hbm>> -> memref<128x128xf32, #tpu.memory_space<hbm>>
    %dma_start3A_121 = arith.constant 128 : i32
    %dma_start3A_122 = tpu.memref_slice %arg8[%add3A_118, %dma_start3A_121] : memref<32768x256xf32, #tpu.memory_space<hbm>> -> memref<128x128xf32, #tpu.memory_space<hbm>>
    tpu.enqueue_dma source(%arg16 : memref<128x128xf32, #tpu.memory_space<vmem>>) target(%dma_start3A_122 : memref<128x128xf32, #tpu.memory_space<hbm>>) target_semaphore(%arg30 : memref<!tpu.dma_semaphore, #tpu.memory_space<semaphore_mem>>)
    %dma_wait3A_123 = arith.constant 128 : i32
    %dma_wait3A_124 = tpu.memref_slice %arg8[%add3A_82, %dma_wait3A_123] : memref<32768x256xf32, #tpu.memory_space<hbm>> -> memref<128x128xf32, #tpu.memory_space<hbm>>
    %dma_wait3A_125 = arith.constant 128 : i32
    %dma_wait3A_126 = tpu.memref_slice %arg8[%add3A_82, %dma_wait3A_125] : memref<32768x256xf32, #tpu.memory_space<hbm>> -> memref<128x128xf32, #tpu.memory_space<hbm>>
    tpu.wait_dma2 semaphore(%arg28 : memref<!tpu.dma_semaphore, #tpu.memory_space<semaphore_mem>>) src(%arg14 : memref<128x128xf32, #tpu.memory_space<vmem>>) dst(%dma_wait3A_126 : memref<128x128xf32, #tpu.memory_space<hbm>>)
    %dma_start3A_127 = arith.constant 512 : i32
    %dma_start3A_128 = tpu.memref_slice %arg11[%dma_start3A_127] : memref<1024xi32, #tpu.memory_space<vmem>> -> memref<128xi32, #tpu.memory_space<vmem>>
    %dma_start3A_129 = arith.constant 0 : i32
    %dma_start3A_130 = arith.constant 0 : i32
    %dma_start3A_131 = tpu.memref_slice %arg2[%dma_start3A_129, %dma_start3A_130] : memref<65536x128xf32, #tpu.memory_space<hbm>> -> memref<65536x128xf32, #tpu.memory_space<hbm>>
    tpu.enqueue_indirect_dma source(%dma_start3A_131 : memref<65536x128xf32, #tpu.memory_space<hbm>>) target(%arg14 : memref<128x128xf32, #tpu.memory_space<vmem>>) offsets(%dma_start3A_128 : memref<128xi32, #tpu.memory_space<vmem>>) semaphore(%arg21 : memref<!tpu.dma_semaphore, #tpu.memory_space<semaphore_mem>>)
    %dma_wait3A_132 = arith.constant 256 : i32
    %dma_wait3A_133 = tpu.memref_slice %arg11[%dma_wait3A_132] : memref<1024xi32, #tpu.memory_space<vmem>> -> memref<128xi32, #tpu.memory_space<vmem>>
    %dma_wait3A_134 = arith.constant 0 : i32
    %dma_wait3A_135 = arith.constant 0 : i32
    %dma_wait3A_136 = tpu.memref_slice %arg2[%dma_wait3A_134, %dma_wait3A_135] : memref<65536x128xf32, #tpu.memory_space<hbm>> -> memref<65536x128xf32, #tpu.memory_space<hbm>>
    tpu.wait_indirect_dma semaphore(%arg24 : memref<!tpu.dma_semaphore, #tpu.memory_space<semaphore_mem>>) src(%dma_wait3A_136 : memref<65536x128xf32, #tpu.memory_space<hbm>>) dst(%arg17 : memref<128x128xf32, #tpu.memory_space<vmem>>)
    %add3A_137 = arith.constant 256 : i32
    %add3A_138 = arith.addi %mul3A_2, %add3A_137 : i32
    %dma_start3A_139 = arith.constant 0 : i32
    %dma_start3A_140 = tpu.memref_slice %arg8[%add3A_138, %dma_start3A_139] : memref<32768x256xf32, #tpu.memory_space<hbm>> -> memref<128x128xf32, #tpu.memory_space<hbm>>
    %dma_start3A_141 = arith.constant 0 : i32
    %dma_start3A_142 = tpu.memref_slice %arg8[%add3A_138, %dma_start3A_141] : memref<32768x256xf32, #tpu.memory_space<hbm>> -> memref<128x128xf32, #tpu.memory_space<hbm>>
    tpu.enqueue_dma source(%arg17 : memref<128x128xf32, #tpu.memory_space<vmem>>) target(%dma_start3A_142 : memref<128x128xf32, #tpu.memory_space<hbm>>) target_semaphore(%arg31 : memref<!tpu.dma_semaphore, #tpu.memory_space<semaphore_mem>>)
    %dma_wait3A_143 = arith.constant 0 : i32
    %dma_wait3A_144 = tpu.memref_slice %arg8[%add3A_98, %dma_wait3A_143] : memref<32768x256xf32, #tpu.memory_space<hbm>> -> memref<128x128xf32, #tpu.memory_space<hbm>>
    %dma_wait3A_145 = arith.constant 0 : i32
    %dma_wait3A_146 = tpu.memref_slice %arg8[%add3A_98, %dma_wait3A_145] : memref<32768x256xf32, #tpu.memory_space<hbm>> -> memref<128x128xf32, #tpu.memory_space<hbm>>
    tpu.wait_dma2 semaphore(%arg29 : memref<!tpu.dma_semaphore, #tpu.memory_space<semaphore_mem>>) src(%arg15 : memref<128x128xf32, #tpu.memory_space<vmem>>) dst(%dma_wait3A_146 : memref<128x128xf32, #tpu.memory_space<hbm>>)
    %dma_start3A_147 = arith.constant 512 : i32
    %dma_start3A_148 = tpu.memref_slice %arg12[%dma_start3A_147] : memref<1024xi32, #tpu.memory_space<vmem>> -> memref<128xi32, #tpu.memory_space<vmem>>
    %dma_start3A_149 = arith.constant 0 : i32
    %dma_start3A_150 = arith.constant 0 : i32
    %dma_start3A_151 = tpu.memref_slice %arg3[%dma_start3A_149, %dma_start3A_150] : memref<65536x128xf32, #tpu.memory_space<hbm>> -> memref<65536x128xf32, #tpu.memory_space<hbm>>
    tpu.enqueue_indirect_dma source(%dma_start3A_151 : memref<65536x128xf32, #tpu.memory_space<hbm>>) target(%arg15 : memref<128x128xf32, #tpu.memory_space<vmem>>) offsets(%dma_start3A_148 : memref<128xi32, #tpu.memory_space<vmem>>) semaphore(%arg22 : memref<!tpu.dma_semaphore, #tpu.memory_space<semaphore_mem>>)
    %dma_wait3A_152 = arith.constant 256 : i32
    %dma_wait3A_153 = tpu.memref_slice %arg12[%dma_wait3A_152] : memref<1024xi32, #tpu.memory_space<vmem>> -> memref<128xi32, #tpu.memory_space<vmem>>
    %dma_wait3A_154 = arith.constant 0 : i32
    %dma_wait3A_155 = arith.constant 0 : i32
    %dma_wait3A_156 = tpu.memref_slice %arg3[%dma_wait3A_154, %dma_wait3A_155] : memref<65536x128xf32, #tpu.memory_space<hbm>> -> memref<65536x128xf32, #tpu.memory_space<hbm>>
    tpu.wait_indirect_dma semaphore(%arg25 : memref<!tpu.dma_semaphore, #tpu.memory_space<semaphore_mem>>) src(%dma_wait3A_156 : memref<65536x128xf32, #tpu.memory_space<hbm>>) dst(%arg18 : memref<128x128xf32, #tpu.memory_space<vmem>>)
    %add3A_157 = arith.constant 256 : i32
    %add3A_158 = arith.addi %mul3A_2, %add3A_157 : i32
    %dma_start3A_159 = arith.constant 128 : i32
    %dma_start3A_160 = tpu.memref_slice %arg8[%add3A_158, %dma_start3A_159] : memref<32768x256xf32, #tpu.memory_space<hbm>> -> memref<128x128xf32, #tpu.memory_space<hbm>>
    %dma_start3A_161 = arith.constant 128 : i32
    %dma_start3A_162 = tpu.memref_slice %arg8[%add3A_158, %dma_start3A_161] : memref<32768x256xf32, #tpu.memory_space<hbm>> -> memref<128x128xf32, #tpu.memory_space<hbm>>
    tpu.enqueue_dma source(%arg18 : memref<128x128xf32, #tpu.memory_space<vmem>>) target(%dma_start3A_162 : memref<128x128xf32, #tpu.memory_space<hbm>>) target_semaphore(%arg32 : memref<!tpu.dma_semaphore, #tpu.memory_space<semaphore_mem>>)
    %dma_wait3A_163 = arith.constant 128 : i32
    %dma_wait3A_164 = tpu.memref_slice %arg8[%add3A_118, %dma_wait3A_163] : memref<32768x256xf32, #tpu.memory_space<hbm>> -> memref<128x128xf32, #tpu.memory_space<hbm>>
    %dma_wait3A_165 = arith.constant 128 : i32
    %dma_wait3A_166 = tpu.memref_slice %arg8[%add3A_118, %dma_wait3A_165] : memref<32768x256xf32, #tpu.memory_space<hbm>> -> memref<128x128xf32, #tpu.memory_space<hbm>>
    tpu.wait_dma2 semaphore(%arg30 : memref<!tpu.dma_semaphore, #tpu.memory_space<semaphore_mem>>) src(%arg16 : memref<128x128xf32, #tpu.memory_space<vmem>>) dst(%dma_wait3A_166 : memref<128x128xf32, #tpu.memory_space<hbm>>)
    %dma_start3A_167 = arith.constant 640 : i32
    %dma_start3A_168 = tpu.memref_slice %arg11[%dma_start3A_167] : memref<1024xi32, #tpu.memory_space<vmem>> -> memref<128xi32, #tpu.memory_space<vmem>>
    %dma_start3A_169 = arith.constant 0 : i32
    %dma_start3A_170 = arith.constant 0 : i32
    %dma_start3A_171 = tpu.memref_slice %arg2[%dma_start3A_169, %dma_start3A_170] : memref<65536x128xf32, #tpu.memory_space<hbm>> -> memref<65536x128xf32, #tpu.memory_space<hbm>>
    tpu.enqueue_indirect_dma source(%dma_start3A_171 : memref<65536x128xf32, #tpu.memory_space<hbm>>) target(%arg16 : memref<128x128xf32, #tpu.memory_space<vmem>>) offsets(%dma_start3A_168 : memref<128xi32, #tpu.memory_space<vmem>>) semaphore(%arg23 : memref<!tpu.dma_semaphore, #tpu.memory_space<semaphore_mem>>)
    %dma_wait3A_172 = arith.constant 384 : i32
    %dma_wait3A_173 = tpu.memref_slice %arg11[%dma_wait3A_172] : memref<1024xi32, #tpu.memory_space<vmem>> -> memref<128xi32, #tpu.memory_space<vmem>>
    %dma_wait3A_174 = arith.constant 0 : i32
    %dma_wait3A_175 = arith.constant 0 : i32
    %dma_wait3A_176 = tpu.memref_slice %arg2[%dma_wait3A_174, %dma_wait3A_175] : memref<65536x128xf32, #tpu.memory_space<hbm>> -> memref<65536x128xf32, #tpu.memory_space<hbm>>
    tpu.wait_indirect_dma semaphore(%arg26 : memref<!tpu.dma_semaphore, #tpu.memory_space<semaphore_mem>>) src(%dma_wait3A_176 : memref<65536x128xf32, #tpu.memory_space<hbm>>) dst(%arg19 : memref<128x128xf32, #tpu.memory_space<vmem>>)
    %add3A_177 = arith.constant 384 : i32
    %add3A_178 = arith.addi %mul3A_2, %add3A_177 : i32
    %dma_start3A_179 = arith.constant 0 : i32
    %dma_start3A_180 = tpu.memref_slice %arg8[%add3A_178, %dma_start3A_179] : memref<32768x256xf32, #tpu.memory_space<hbm>> -> memref<128x128xf32, #tpu.memory_space<hbm>>
    %dma_start3A_181 = arith.constant 0 : i32
    %dma_start3A_182 = tpu.memref_slice %arg8[%add3A_178, %dma_start3A_181] : memref<32768x256xf32, #tpu.memory_space<hbm>> -> memref<128x128xf32, #tpu.memory_space<hbm>>
    tpu.enqueue_dma source(%arg19 : memref<128x128xf32, #tpu.memory_space<vmem>>) target(%dma_start3A_182 : memref<128x128xf32, #tpu.memory_space<hbm>>) target_semaphore(%arg33 : memref<!tpu.dma_semaphore, #tpu.memory_space<semaphore_mem>>)
    %dma_wait3A_183 = arith.constant 0 : i32
    %dma_wait3A_184 = tpu.memref_slice %arg8[%add3A_138, %dma_wait3A_183] : memref<32768x256xf32, #tpu.memory_space<hbm>> -> memref<128x128xf32, #tpu.memory_space<hbm>>
    %dma_wait3A_185 = arith.constant 0 : i32
    %dma_wait3A_186 = tpu.memref_slice %arg8[%add3A_138, %dma_wait3A_185] : memref<32768x256xf32, #tpu.memory_space<hbm>> -> memref<128x128xf32, #tpu.memory_space<hbm>>
    tpu.wait_dma2 semaphore(%arg31 : memref<!tpu.dma_semaphore, #tpu.memory_space<semaphore_mem>>) src(%arg17 : memref<128x128xf32, #tpu.memory_space<vmem>>) dst(%dma_wait3A_186 : memref<128x128xf32, #tpu.memory_space<hbm>>)
    %dma_start3A_187 = arith.constant 640 : i32
    %dma_start3A_188 = tpu.memref_slice %arg12[%dma_start3A_187] : memref<1024xi32, #tpu.memory_space<vmem>> -> memref<128xi32, #tpu.memory_space<vmem>>
    %dma_start3A_189 = arith.constant 0 : i32
    %dma_start3A_190 = arith.constant 0 : i32
    %dma_start3A_191 = tpu.memref_slice %arg3[%dma_start3A_189, %dma_start3A_190] : memref<65536x128xf32, #tpu.memory_space<hbm>> -> memref<65536x128xf32, #tpu.memory_space<hbm>>
    tpu.enqueue_indirect_dma source(%dma_start3A_191 : memref<65536x128xf32, #tpu.memory_space<hbm>>) target(%arg17 : memref<128x128xf32, #tpu.memory_space<vmem>>) offsets(%dma_start3A_188 : memref<128xi32, #tpu.memory_space<vmem>>) semaphore(%arg24 : memref<!tpu.dma_semaphore, #tpu.memory_space<semaphore_mem>>)
    %dma_wait3A_192 = arith.constant 384 : i32
    %dma_wait3A_193 = tpu.memref_slice %arg12[%dma_wait3A_192] : memref<1024xi32, #tpu.memory_space<vmem>> -> memref<128xi32, #tpu.memory_space<vmem>>
    %dma_wait3A_194 = arith.constant 0 : i32
    %dma_wait3A_195 = arith.constant 0 : i32
    %dma_wait3A_196 = tpu.memref_slice %arg3[%dma_wait3A_194, %dma_wait3A_195] : memref<65536x128xf32, #tpu.memory_space<hbm>> -> memref<65536x128xf32, #tpu.memory_space<hbm>>
    tpu.wait_indirect_dma semaphore(%arg20 : memref<!tpu.dma_semaphore, #tpu.memory_space<semaphore_mem>>) src(%dma_wait3A_196 : memref<65536x128xf32, #tpu.memory_space<hbm>>) dst(%arg13 : memref<128x128xf32, #tpu.memory_space<vmem>>)
    %add3A_197 = arith.constant 384 : i32
    %add3A_198 = arith.addi %mul3A_2, %add3A_197 : i32
    %dma_start3A_199 = arith.constant 128 : i32
    %dma_start3A_200 = tpu.memref_slice %arg8[%add3A_198, %dma_start3A_199] : memref<32768x256xf32, #tpu.memory_space<hbm>> -> memref<128x128xf32, #tpu.memory_space<hbm>>
    %dma_start3A_201 = arith.constant 128 : i32
    %dma_start3A_202 = tpu.memref_slice %arg8[%add3A_198, %dma_start3A_201] : memref<32768x256xf32, #tpu.memory_space<hbm>> -> memref<128x128xf32, #tpu.memory_space<hbm>>
    tpu.enqueue_dma source(%arg13 : memref<128x128xf32, #tpu.memory_space<vmem>>) target(%dma_start3A_202 : memref<128x128xf32, #tpu.memory_space<hbm>>) target_semaphore(%arg27 : memref<!tpu.dma_semaphore, #tpu.memory_space<semaphore_mem>>)
    %dma_wait3A_203 = arith.constant 128 : i32
    %dma_wait3A_204 = tpu.memref_slice %arg8[%add3A_158, %dma_wait3A_203] : memref<32768x256xf32, #tpu.memory_space<hbm>> -> memref<128x128xf32, #tpu.memory_space<hbm>>
    %dma_wait3A_205 = arith.constant 128 : i32
    %dma_wait3A_206 = tpu.memref_slice %arg8[%add3A_158, %dma_wait3A_205] : memref<32768x256xf32, #tpu.memory_space<hbm>> -> memref<128x128xf32, #tpu.memory_space<hbm>>
    tpu.wait_dma2 semaphore(%arg32 : memref<!tpu.dma_semaphore, #tpu.memory_space<semaphore_mem>>) src(%arg18 : memref<128x128xf32, #tpu.memory_space<vmem>>) dst(%dma_wait3A_206 : memref<128x128xf32, #tpu.memory_space<hbm>>)
    %dma_start3A_207 = arith.constant 768 : i32
    %dma_start3A_208 = tpu.memref_slice %arg11[%dma_start3A_207] : memref<1024xi32, #tpu.memory_space<vmem>> -> memref<128xi32, #tpu.memory_space<vmem>>
    %dma_start3A_209 = arith.constant 0 : i32
    %dma_start3A_210 = arith.constant 0 : i32
    %dma_start3A_211 = tpu.memref_slice %arg2[%dma_start3A_209, %dma_start3A_210] : memref<65536x128xf32, #tpu.memory_space<hbm>> -> memref<65536x128xf32, #tpu.memory_space<hbm>>
    tpu.enqueue_indirect_dma source(%dma_start3A_211 : memref<65536x128xf32, #tpu.memory_space<hbm>>) target(%arg18 : memref<128x128xf32, #tpu.memory_space<vmem>>) offsets(%dma_start3A_208 : memref<128xi32, #tpu.memory_space<vmem>>) semaphore(%arg25 : memref<!tpu.dma_semaphore, #tpu.memory_space<semaphore_mem>>)
    %dma_wait3A_212 = arith.constant 512 : i32
    %dma_wait3A_213 = tpu.memref_slice %arg11[%dma_wait3A_212] : memref<1024xi32, #tpu.memory_space<vmem>> -> memref<128xi32, #tpu.memory_space<vmem>>
    %dma_wait3A_214 = arith.constant 0 : i32
    %dma_wait3A_215 = arith.constant 0 : i32
    %dma_wait3A_216 = tpu.memref_slice %arg2[%dma_wait3A_214, %dma_wait3A_215] : memref<65536x128xf32, #tpu.memory_space<hbm>> -> memref<65536x128xf32, #tpu.memory_space<hbm>>
    tpu.wait_indirect_dma semaphore(%arg21 : memref<!tpu.dma_semaphore, #tpu.memory_space<semaphore_mem>>) src(%dma_wait3A_216 : memref<65536x128xf32, #tpu.memory_space<hbm>>) dst(%arg14 : memref<128x128xf32, #tpu.memory_space<vmem>>)
    %add3A_217 = arith.constant 512 : i32
    %add3A_218 = arith.addi %mul3A_2, %add3A_217 : i32
    %dma_start3A_219 = arith.constant 0 : i32
    %dma_start3A_220 = tpu.memref_slice %arg8[%add3A_218, %dma_start3A_219] : memref<32768x256xf32, #tpu.memory_space<hbm>> -> memref<128x128xf32, #tpu.memory_space<hbm>>
    %dma_start3A_221 = arith.constant 0 : i32
    %dma_start3A_222 = tpu.memref_slice %arg8[%add3A_218, %dma_start3A_221] : memref<32768x256xf32, #tpu.memory_space<hbm>> -> memref<128x128xf32, #tpu.memory_space<hbm>>
    tpu.enqueue_dma source(%arg14 : memref<128x128xf32, #tpu.memory_space<vmem>>) target(%dma_start3A_222 : memref<128x128xf32, #tpu.memory_space<hbm>>) target_semaphore(%arg28 : memref<!tpu.dma_semaphore, #tpu.memory_space<semaphore_mem>>)
    %dma_wait3A_223 = arith.constant 0 : i32
    %dma_wait3A_224 = tpu.memref_slice %arg8[%add3A_178, %dma_wait3A_223] : memref<32768x256xf32, #tpu.memory_space<hbm>> -> memref<128x128xf32, #tpu.memory_space<hbm>>
    %dma_wait3A_225 = arith.constant 0 : i32
    %dma_wait3A_226 = tpu.memref_slice %arg8[%add3A_178, %dma_wait3A_225] : memref<32768x256xf32, #tpu.memory_space<hbm>> -> memref<128x128xf32, #tpu.memory_space<hbm>>
    tpu.wait_dma2 semaphore(%arg33 : memref<!tpu.dma_semaphore, #tpu.memory_space<semaphore_mem>>) src(%arg19 : memref<128x128xf32, #tpu.memory_space<vmem>>) dst(%dma_wait3A_226 : memref<128x128xf32, #tpu.memory_space<hbm>>)
    %dma_start3A_227 = arith.constant 768 : i32
    %dma_start3A_228 = tpu.memref_slice %arg12[%dma_start3A_227] : memref<1024xi32, #tpu.memory_space<vmem>> -> memref<128xi32, #tpu.memory_space<vmem>>
    %dma_start3A_229 = arith.constant 0 : i32
    %dma_start3A_230 = arith.constant 0 : i32
    %dma_start3A_231 = tpu.memref_slice %arg3[%dma_start3A_229, %dma_start3A_230] : memref<65536x128xf32, #tpu.memory_space<hbm>> -> memref<65536x128xf32, #tpu.memory_space<hbm>>
    tpu.enqueue_indirect_dma source(%dma_start3A_231 : memref<65536x128xf32, #tpu.memory_space<hbm>>) target(%arg19 : memref<128x128xf32, #tpu.memory_space<vmem>>) offsets(%dma_start3A_228 : memref<128xi32, #tpu.memory_space<vmem>>) semaphore(%arg26 : memref<!tpu.dma_semaphore, #tpu.memory_space<semaphore_mem>>)
    %dma_wait3A_232 = arith.constant 512 : i32
    %dma_wait3A_233 = tpu.memref_slice %arg12[%dma_wait3A_232] : memref<1024xi32, #tpu.memory_space<vmem>> -> memref<128xi32, #tpu.memory_space<vmem>>
    %dma_wait3A_234 = arith.constant 0 : i32
    %dma_wait3A_235 = arith.constant 0 : i32
    %dma_wait3A_236 = tpu.memref_slice %arg3[%dma_wait3A_234, %dma_wait3A_235] : memref<65536x128xf32, #tpu.memory_space<hbm>> -> memref<65536x128xf32, #tpu.memory_space<hbm>>
    tpu.wait_indirect_dma semaphore(%arg22 : memref<!tpu.dma_semaphore, #tpu.memory_space<semaphore_mem>>) src(%dma_wait3A_236 : memref<65536x128xf32, #tpu.memory_space<hbm>>) dst(%arg15 : memref<128x128xf32, #tpu.memory_space<vmem>>)
    %add3A_237 = arith.constant 512 : i32
    %add3A_238 = arith.addi %mul3A_2, %add3A_237 : i32
    %dma_start3A_239 = arith.constant 128 : i32
    %dma_start3A_240 = tpu.memref_slice %arg8[%add3A_238, %dma_start3A_239] : memref<32768x256xf32, #tpu.memory_space<hbm>> -> memref<128x128xf32, #tpu.memory_space<hbm>>
    %dma_start3A_241 = arith.constant 128 : i32
    %dma_start3A_242 = tpu.memref_slice %arg8[%add3A_238, %dma_start3A_241] : memref<32768x256xf32, #tpu.memory_space<hbm>> -> memref<128x128xf32, #tpu.memory_space<hbm>>
    tpu.enqueue_dma source(%arg15 : memref<128x128xf32, #tpu.memory_space<vmem>>) target(%dma_start3A_242 : memref<128x128xf32, #tpu.memory_space<hbm>>) target_semaphore(%arg29 : memref<!tpu.dma_semaphore, #tpu.memory_space<semaphore_mem>>)
    %dma_wait3A_243 = arith.constant 128 : i32
    %dma_wait3A_244 = tpu.memref_slice %arg8[%add3A_198, %dma_wait3A_243] : memref<32768x256xf32, #tpu.memory_space<hbm>> -> memref<128x128xf32, #tpu.memory_space<hbm>>
    %dma_wait3A_245 = arith.constant 128 : i32
    %dma_wait3A_246 = tpu.memref_slice %arg8[%add3A_198, %dma_wait3A_245] : memref<32768x256xf32, #tpu.memory_space<hbm>> -> memref<128x128xf32, #tpu.memory_space<hbm>>
    tpu.wait_dma2 semaphore(%arg27 : memref<!tpu.dma_semaphore, #tpu.memory_space<semaphore_mem>>) src(%arg13 : memref<128x128xf32, #tpu.memory_space<vmem>>) dst(%dma_wait3A_246 : memref<128x128xf32, #tpu.memory_space<hbm>>)
    %dma_start3A_247 = arith.constant 896 : i32
    %dma_start3A_248 = tpu.memref_slice %arg11[%dma_start3A_247] : memref<1024xi32, #tpu.memory_space<vmem>> -> memref<128xi32, #tpu.memory_space<vmem>>
    %dma_start3A_249 = arith.constant 0 : i32
    %dma_start3A_250 = arith.constant 0 : i32
    %dma_start3A_251 = tpu.memref_slice %arg2[%dma_start3A_249, %dma_start3A_250] : memref<65536x128xf32, #tpu.memory_space<hbm>> -> memref<65536x128xf32, #tpu.memory_space<hbm>>
    tpu.enqueue_indirect_dma source(%dma_start3A_251 : memref<65536x128xf32, #tpu.memory_space<hbm>>) target(%arg13 : memref<128x128xf32, #tpu.memory_space<vmem>>) offsets(%dma_start3A_248 : memref<128xi32, #tpu.memory_space<vmem>>) semaphore(%arg20 : memref<!tpu.dma_semaphore, #tpu.memory_space<semaphore_mem>>)
    %dma_wait3A_252 = arith.constant 640 : i32
    %dma_wait3A_253 = tpu.memref_slice %arg11[%dma_wait3A_252] : memref<1024xi32, #tpu.memory_space<vmem>> -> memref<128xi32, #tpu.memory_space<vmem>>
    %dma_wait3A_254 = arith.constant 0 : i32
    %dma_wait3A_255 = arith.constant 0 : i32
    %dma_wait3A_256 = tpu.memref_slice %arg2[%dma_wait3A_254, %dma_wait3A_255] : memref<65536x128xf32, #tpu.memory_space<hbm>> -> memref<65536x128xf32, #tpu.memory_space<hbm>>
    tpu.wait_indirect_dma semaphore(%arg23 : memref<!tpu.dma_semaphore, #tpu.memory_space<semaphore_mem>>) src(%dma_wait3A_256 : memref<65536x128xf32, #tpu.memory_space<hbm>>) dst(%arg16 : memref<128x128xf32, #tpu.memory_space<vmem>>)
    %add3A_257 = arith.constant 640 : i32
    %add3A_258 = arith.addi %mul3A_2, %add3A_257 : i32
    %dma_start3A_259 = arith.constant 0 : i32
    %dma_start3A_260 = tpu.memref_slice %arg8[%add3A_258, %dma_start3A_259] : memref<32768x256xf32, #tpu.memory_space<hbm>> -> memref<128x128xf32, #tpu.memory_space<hbm>>
    %dma_start3A_261 = arith.constant 0 : i32
    %dma_start3A_262 = tpu.memref_slice %arg8[%add3A_258, %dma_start3A_261] : memref<32768x256xf32, #tpu.memory_space<hbm>> -> memref<128x128xf32, #tpu.memory_space<hbm>>
    tpu.enqueue_dma source(%arg16 : memref<128x128xf32, #tpu.memory_space<vmem>>) target(%dma_start3A_262 : memref<128x128xf32, #tpu.memory_space<hbm>>) target_semaphore(%arg30 : memref<!tpu.dma_semaphore, #tpu.memory_space<semaphore_mem>>)
    %dma_wait3A_263 = arith.constant 0 : i32
    %dma_wait3A_264 = tpu.memref_slice %arg8[%add3A_218, %dma_wait3A_263] : memref<32768x256xf32, #tpu.memory_space<hbm>> -> memref<128x128xf32, #tpu.memory_space<hbm>>
    %dma_wait3A_265 = arith.constant 0 : i32
    %dma_wait3A_266 = tpu.memref_slice %arg8[%add3A_218, %dma_wait3A_265] : memref<32768x256xf32, #tpu.memory_space<hbm>> -> memref<128x128xf32, #tpu.memory_space<hbm>>
    tpu.wait_dma2 semaphore(%arg28 : memref<!tpu.dma_semaphore, #tpu.memory_space<semaphore_mem>>) src(%arg14 : memref<128x128xf32, #tpu.memory_space<vmem>>) dst(%dma_wait3A_266 : memref<128x128xf32, #tpu.memory_space<hbm>>)
    %dma_start3A_267 = arith.constant 896 : i32
    %dma_start3A_268 = tpu.memref_slice %arg12[%dma_start3A_267] : memref<1024xi32, #tpu.memory_space<vmem>> -> memref<128xi32, #tpu.memory_space<vmem>>
    %dma_start3A_269 = arith.constant 0 : i32
    %dma_start3A_270 = arith.constant 0 : i32
    %dma_start3A_271 = tpu.memref_slice %arg3[%dma_start3A_269, %dma_start3A_270] : memref<65536x128xf32, #tpu.memory_space<hbm>> -> memref<65536x128xf32, #tpu.memory_space<hbm>>
    tpu.enqueue_indirect_dma source(%dma_start3A_271 : memref<65536x128xf32, #tpu.memory_space<hbm>>) target(%arg14 : memref<128x128xf32, #tpu.memory_space<vmem>>) offsets(%dma_start3A_268 : memref<128xi32, #tpu.memory_space<vmem>>) semaphore(%arg21 : memref<!tpu.dma_semaphore, #tpu.memory_space<semaphore_mem>>)
    %dma_wait3A_272 = arith.constant 640 : i32
    %dma_wait3A_273 = tpu.memref_slice %arg12[%dma_wait3A_272] : memref<1024xi32, #tpu.memory_space<vmem>> -> memref<128xi32, #tpu.memory_space<vmem>>
    %dma_wait3A_274 = arith.constant 0 : i32
    %dma_wait3A_275 = arith.constant 0 : i32
    %dma_wait3A_276 = tpu.memref_slice %arg3[%dma_wait3A_274, %dma_wait3A_275] : memref<65536x128xf32, #tpu.memory_space<hbm>> -> memref<65536x128xf32, #tpu.memory_space<hbm>>
    tpu.wait_indirect_dma semaphore(%arg24 : memref<!tpu.dma_semaphore, #tpu.memory_space<semaphore_mem>>) src(%dma_wait3A_276 : memref<65536x128xf32, #tpu.memory_space<hbm>>) dst(%arg17 : memref<128x128xf32, #tpu.memory_space<vmem>>)
    %add3A_277 = arith.constant 640 : i32
    %add3A_278 = arith.addi %mul3A_2, %add3A_277 : i32
    %dma_start3A_279 = arith.constant 128 : i32
    %dma_start3A_280 = tpu.memref_slice %arg8[%add3A_278, %dma_start3A_279] : memref<32768x256xf32, #tpu.memory_space<hbm>> -> memref<128x128xf32, #tpu.memory_space<hbm>>
    %dma_start3A_281 = arith.constant 128 : i32
    %dma_start3A_282 = tpu.memref_slice %arg8[%add3A_278, %dma_start3A_281] : memref<32768x256xf32, #tpu.memory_space<hbm>> -> memref<128x128xf32, #tpu.memory_space<hbm>>
    tpu.enqueue_dma source(%arg17 : memref<128x128xf32, #tpu.memory_space<vmem>>) target(%dma_start3A_282 : memref<128x128xf32, #tpu.memory_space<hbm>>) target_semaphore(%arg31 : memref<!tpu.dma_semaphore, #tpu.memory_space<semaphore_mem>>)
    %dma_wait3A_283 = arith.constant 768 : i32
    %dma_wait3A_284 = tpu.memref_slice %arg11[%dma_wait3A_283] : memref<1024xi32, #tpu.memory_space<vmem>> -> memref<128xi32, #tpu.memory_space<vmem>>
    %dma_wait3A_285 = arith.constant 0 : i32
    %dma_wait3A_286 = arith.constant 0 : i32
    %dma_wait3A_287 = tpu.memref_slice %arg2[%dma_wait3A_285, %dma_wait3A_286] : memref<65536x128xf32, #tpu.memory_space<hbm>> -> memref<65536x128xf32, #tpu.memory_space<hbm>>
    tpu.wait_indirect_dma semaphore(%arg25 : memref<!tpu.dma_semaphore, #tpu.memory_space<semaphore_mem>>) src(%dma_wait3A_287 : memref<65536x128xf32, #tpu.memory_space<hbm>>) dst(%arg18 : memref<128x128xf32, #tpu.memory_space<vmem>>)
    %add3A_288 = arith.constant 768 : i32
    %add3A_289 = arith.addi %mul3A_2, %add3A_288 : i32
    %dma_start3A_290 = arith.constant 0 : i32
    %dma_start3A_291 = tpu.memref_slice %arg8[%add3A_289, %dma_start3A_290] : memref<32768x256xf32, #tpu.memory_space<hbm>> -> memref<128x128xf32, #tpu.memory_space<hbm>>
    %dma_start3A_292 = arith.constant 0 : i32
    %dma_start3A_293 = tpu.memref_slice %arg8[%add3A_289, %dma_start3A_292] : memref<32768x256xf32, #tpu.memory_space<hbm>> -> memref<128x128xf32, #tpu.memory_space<hbm>>
    tpu.enqueue_dma source(%arg18 : memref<128x128xf32, #tpu.memory_space<vmem>>) target(%dma_start3A_293 : memref<128x128xf32, #tpu.memory_space<hbm>>) target_semaphore(%arg32 : memref<!tpu.dma_semaphore, #tpu.memory_space<semaphore_mem>>)
    %dma_wait3A_294 = arith.constant 768 : i32
    %dma_wait3A_295 = tpu.memref_slice %arg12[%dma_wait3A_294] : memref<1024xi32, #tpu.memory_space<vmem>> -> memref<128xi32, #tpu.memory_space<vmem>>
    %dma_wait3A_296 = arith.constant 0 : i32
    %dma_wait3A_297 = arith.constant 0 : i32
    %dma_wait3A_298 = tpu.memref_slice %arg3[%dma_wait3A_296, %dma_wait3A_297] : memref<65536x128xf32, #tpu.memory_space<hbm>> -> memref<65536x128xf32, #tpu.memory_space<hbm>>
    tpu.wait_indirect_dma semaphore(%arg26 : memref<!tpu.dma_semaphore, #tpu.memory_space<semaphore_mem>>) src(%dma_wait3A_298 : memref<65536x128xf32, #tpu.memory_space<hbm>>) dst(%arg19 : memref<128x128xf32, #tpu.memory_space<vmem>>)
    %add3A_299 = arith.constant 768 : i32
    %add3A_300 = arith.addi %mul3A_2, %add3A_299 : i32
    %dma_start3A_301 = arith.constant 128 : i32
    %dma_start3A_302 = tpu.memref_slice %arg8[%add3A_300, %dma_start3A_301] : memref<32768x256xf32, #tpu.memory_space<hbm>> -> memref<128x128xf32, #tpu.memory_space<hbm>>
    %dma_start3A_303 = arith.constant 128 : i32
    %dma_start3A_304 = tpu.memref_slice %arg8[%add3A_300, %dma_start3A_303] : memref<32768x256xf32, #tpu.memory_space<hbm>> -> memref<128x128xf32, #tpu.memory_space<hbm>>
    tpu.enqueue_dma source(%arg19 : memref<128x128xf32, #tpu.memory_space<vmem>>) target(%dma_start3A_304 : memref<128x128xf32, #tpu.memory_space<hbm>>) target_semaphore(%arg33 : memref<!tpu.dma_semaphore, #tpu.memory_space<semaphore_mem>>)
    %dma_wait3A_305 = arith.constant 896 : i32
    %dma_wait3A_306 = tpu.memref_slice %arg11[%dma_wait3A_305] : memref<1024xi32, #tpu.memory_space<vmem>> -> memref<128xi32, #tpu.memory_space<vmem>>
    %dma_wait3A_307 = arith.constant 0 : i32
    %dma_wait3A_308 = arith.constant 0 : i32
    %dma_wait3A_309 = tpu.memref_slice %arg2[%dma_wait3A_307, %dma_wait3A_308] : memref<65536x128xf32, #tpu.memory_space<hbm>> -> memref<65536x128xf32, #tpu.memory_space<hbm>>
    tpu.wait_indirect_dma semaphore(%arg20 : memref<!tpu.dma_semaphore, #tpu.memory_space<semaphore_mem>>) src(%dma_wait3A_309 : memref<65536x128xf32, #tpu.memory_space<hbm>>) dst(%arg13 : memref<128x128xf32, #tpu.memory_space<vmem>>)
    %add3A_310 = arith.constant 896 : i32
    %add3A_311 = arith.addi %mul3A_2, %add3A_310 : i32
    %dma_start3A_312 = arith.constant 0 : i32
    %dma_start3A_313 = tpu.memref_slice %arg8[%add3A_311, %dma_start3A_312] : memref<32768x256xf32, #tpu.memory_space<hbm>> -> memref<128x128xf32, #tpu.memory_space<hbm>>
    %dma_start3A_314 = arith.constant 0 : i32
    %dma_start3A_315 = tpu.memref_slice %arg8[%add3A_311, %dma_start3A_314] : memref<32768x256xf32, #tpu.memory_space<hbm>> -> memref<128x128xf32, #tpu.memory_space<hbm>>
    tpu.enqueue_dma source(%arg13 : memref<128x128xf32, #tpu.memory_space<vmem>>) target(%dma_start3A_315 : memref<128x128xf32, #tpu.memory_space<hbm>>) target_semaphore(%arg27 : memref<!tpu.dma_semaphore, #tpu.memory_space<semaphore_mem>>)
    %dma_wait3A_316 = arith.constant 896 : i32
    %dma_wait3A_317 = tpu.memref_slice %arg12[%dma_wait3A_316] : memref<1024xi32, #tpu.memory_space<vmem>> -> memref<128xi32, #tpu.memory_space<vmem>>
    %dma_wait3A_318 = arith.constant 0 : i32
    %dma_wait3A_319 = arith.constant 0 : i32
    %dma_wait3A_320 = tpu.memref_slice %arg3[%dma_wait3A_318, %dma_wait3A_319] : memref<65536x128xf32, #tpu.memory_space<hbm>> -> memref<65536x128xf32, #tpu.memory_space<hbm>>
    tpu.wait_indirect_dma semaphore(%arg21 : memref<!tpu.dma_semaphore, #tpu.memory_space<semaphore_mem>>) src(%dma_wait3A_320 : memref<65536x128xf32, #tpu.memory_space<hbm>>) dst(%arg14 : memref<128x128xf32, #tpu.memory_space<vmem>>)
    %add3A_321 = arith.constant 896 : i32
    %add3A_322 = arith.addi %mul3A_2, %add3A_321 : i32
    %dma_start3A_323 = arith.constant 128 : i32
    %dma_start3A_324 = tpu.memref_slice %arg8[%add3A_322, %dma_start3A_323] : memref<32768x256xf32, #tpu.memory_space<hbm>> -> memref<128x128xf32, #tpu.memory_space<hbm>>
    %dma_start3A_325 = arith.constant 128 : i32
    %dma_start3A_326 = tpu.memref_slice %arg8[%add3A_322, %dma_start3A_325] : memref<32768x256xf32, #tpu.memory_space<hbm>> -> memref<128x128xf32, #tpu.memory_space<hbm>>
    tpu.enqueue_dma source(%arg14 : memref<128x128xf32, #tpu.memory_space<vmem>>) target(%dma_start3A_326 : memref<128x128xf32, #tpu.memory_space<hbm>>) target_semaphore(%arg28 : memref<!tpu.dma_semaphore, #tpu.memory_space<semaphore_mem>>)
    %dma_wait3A_327 = arith.constant 128 : i32
    %dma_wait3A_328 = tpu.memref_slice %arg8[%add3A_238, %dma_wait3A_327] : memref<32768x256xf32, #tpu.memory_space<hbm>> -> memref<128x128xf32, #tpu.memory_space<hbm>>
    %dma_wait3A_329 = arith.constant 128 : i32
    %dma_wait3A_330 = tpu.memref_slice %arg8[%add3A_238, %dma_wait3A_329] : memref<32768x256xf32, #tpu.memory_space<hbm>> -> memref<128x128xf32, #tpu.memory_space<hbm>>
    tpu.wait_dma2 semaphore(%arg29 : memref<!tpu.dma_semaphore, #tpu.memory_space<semaphore_mem>>) src(%arg15 : memref<128x128xf32, #tpu.memory_space<vmem>>) dst(%dma_wait3A_330 : memref<128x128xf32, #tpu.memory_space<hbm>>)
    %dma_wait3A_331 = arith.constant 0 : i32
    %dma_wait3A_332 = tpu.memref_slice %arg8[%add3A_258, %dma_wait3A_331] : memref<32768x256xf32, #tpu.memory_space<hbm>> -> memref<128x128xf32, #tpu.memory_space<hbm>>
    %dma_wait3A_333 = arith.constant 0 : i32
    %dma_wait3A_334 = tpu.memref_slice %arg8[%add3A_258, %dma_wait3A_333] : memref<32768x256xf32, #tpu.memory_space<hbm>> -> memref<128x128xf32, #tpu.memory_space<hbm>>
    tpu.wait_dma2 semaphore(%arg30 : memref<!tpu.dma_semaphore, #tpu.memory_space<semaphore_mem>>) src(%arg16 : memref<128x128xf32, #tpu.memory_space<vmem>>) dst(%dma_wait3A_334 : memref<128x128xf32, #tpu.memory_space<hbm>>)
    %dma_wait3A_335 = arith.constant 128 : i32
    %dma_wait3A_336 = tpu.memref_slice %arg8[%add3A_278, %dma_wait3A_335] : memref<32768x256xf32, #tpu.memory_space<hbm>> -> memref<128x128xf32, #tpu.memory_space<hbm>>
    %dma_wait3A_337 = arith.constant 128 : i32
    %dma_wait3A_338 = tpu.memref_slice %arg8[%add3A_278, %dma_wait3A_337] : memref<32768x256xf32, #tpu.memory_space<hbm>> -> memref<128x128xf32, #tpu.memory_space<hbm>>
    tpu.wait_dma2 semaphore(%arg31 : memref<!tpu.dma_semaphore, #tpu.memory_space<semaphore_mem>>) src(%arg17 : memref<128x128xf32, #tpu.memory_space<vmem>>) dst(%dma_wait3A_338 : memref<128x128xf32, #tpu.memory_space<hbm>>)
    %dma_wait3A_339 = arith.constant 0 : i32
    %dma_wait3A_340 = tpu.memref_slice %arg8[%add3A_289, %dma_wait3A_339] : memref<32768x256xf32, #tpu.memory_space<hbm>> -> memref<128x128xf32, #tpu.memory_space<hbm>>
    %dma_wait3A_341 = arith.constant 0 : i32
    %dma_wait3A_342 = tpu.memref_slice %arg8[%add3A_289, %dma_wait3A_341] : memref<32768x256xf32, #tpu.memory_space<hbm>> -> memref<128x128xf32, #tpu.memory_space<hbm>>
    tpu.wait_dma2 semaphore(%arg32 : memref<!tpu.dma_semaphore, #tpu.memory_space<semaphore_mem>>) src(%arg18 : memref<128x128xf32, #tpu.memory_space<vmem>>) dst(%dma_wait3A_342 : memref<128x128xf32, #tpu.memory_space<hbm>>)
    %dma_wait3A_343 = arith.constant 128 : i32
    %dma_wait3A_344 = tpu.memref_slice %arg8[%add3A_300, %dma_wait3A_343] : memref<32768x256xf32, #tpu.memory_space<hbm>> -> memref<128x128xf32, #tpu.memory_space<hbm>>
    %dma_wait3A_345 = arith.constant 128 : i32
    %dma_wait3A_346 = tpu.memref_slice %arg8[%add3A_300, %dma_wait3A_345] : memref<32768x256xf32, #tpu.memory_space<hbm>> -> memref<128x128xf32, #tpu.memory_space<hbm>>
    tpu.wait_dma2 semaphore(%arg33 : memref<!tpu.dma_semaphore, #tpu.memory_space<semaphore_mem>>) src(%arg19 : memref<128x128xf32, #tpu.memory_space<vmem>>) dst(%dma_wait3A_346 : memref<128x128xf32, #tpu.memory_space<hbm>>)
    %dma_wait3A_347 = arith.constant 0 : i32
    %dma_wait3A_348 = tpu.memref_slice %arg8[%add3A_311, %dma_wait3A_347] : memref<32768x256xf32, #tpu.memory_space<hbm>> -> memref<128x128xf32, #tpu.memory_space<hbm>>
    %dma_wait3A_349 = arith.constant 0 : i32
    %dma_wait3A_350 = tpu.memref_slice %arg8[%add3A_311, %dma_wait3A_349] : memref<32768x256xf32, #tpu.memory_space<hbm>> -> memref<128x128xf32, #tpu.memory_space<hbm>>
    tpu.wait_dma2 semaphore(%arg27 : memref<!tpu.dma_semaphore, #tpu.memory_space<semaphore_mem>>) src(%arg13 : memref<128x128xf32, #tpu.memory_space<vmem>>) dst(%dma_wait3A_350 : memref<128x128xf32, #tpu.memory_space<hbm>>)
    %dma_wait3A_351 = arith.constant 128 : i32
    %dma_wait3A_352 = tpu.memref_slice %arg8[%add3A_322, %dma_wait3A_351] : memref<32768x256xf32, #tpu.memory_space<hbm>> -> memref<128x128xf32, #tpu.memory_space<hbm>>
    %dma_wait3A_353 = arith.constant 128 : i32
    %dma_wait3A_354 = tpu.memref_slice %arg8[%add3A_322, %dma_wait3A_353] : memref<32768x256xf32, #tpu.memory_space<hbm>> -> memref<128x128xf32, #tpu.memory_space<hbm>>
    tpu.wait_dma2 semaphore(%arg28 : memref<!tpu.dma_semaphore, #tpu.memory_space<semaphore_mem>>) src(%arg14 : memref<128x128xf32, #tpu.memory_space<vmem>>) dst(%dma_wait3A_354 : memref<128x128xf32, #tpu.memory_space<hbm>>)
    return
  }
}

module attributes {stable_mosaic.version = 14 : i64} {
  func.func @body(%arg0: i32, %arg1: memref<8192x256xf32, #tpu.memory_space<vmem>>, %arg2: memref<256x256xf32, #tpu.memory_space<vmem>>, %arg3: memref<1x256xf32, #tpu.memory_space<vmem>>, %arg4: memref<256x1xf32, #tpu.memory_space<vmem>>, %arg5: memref<1x1xf32, #tpu.memory_space<vmem>>, %arg6: memref<8192x1xf32, #tpu.memory_space<vmem>>) attributes {dimension_semantics = [#tpu.dimension_semantics<parallel>], iteration_bounds = array<i64: 4>, scalar_prefetch = 0 : i64, scratch_operands = 0 : i64, tpu.core_type = #tpu.core_type<tc>, window_params = [{transform_indices = @transform_0, window_bounds = array<i64: 8192, 256>}, {pipeline_mode = #tpu.pipeline_mode<synchronous>, transform_indices = @transform_1, window_bounds = array<i64: 256, 256>}, {pipeline_mode = #tpu.pipeline_mode<synchronous>, transform_indices = @transform_2, window_bounds = array<i64: 1, 256>}, {pipeline_mode = #tpu.pipeline_mode<synchronous>, transform_indices = @transform_3, window_bounds = array<i64: 256, 1>}, {pipeline_mode = #tpu.pipeline_mode<synchronous>, transform_indices = @transform_4, window_bounds = array<i64: 1, 1>}, {transform_indices = @transform_5, window_bounds = array<i64: 8192, 1>}]} {
    %get3A = arith.constant 0 : index
    %get3A_0 = arith.constant 0 : index
    %get3A_1 = vector.load %arg1[%get3A, %get3A_0] : memref<8192x256xf32, #tpu.memory_space<vmem>>, vector<8192x256xf32>
    %convert_element_type3A = arith.truncf %get3A_1 : vector<8192x256xf32> to vector<8192x256xbf16>
    %get3A_2 = arith.constant 0 : index
    %get3A_3 = arith.constant 0 : index
    %get3A_4 = vector.load %arg2[%get3A_2, %get3A_3] : memref<256x256xf32, #tpu.memory_space<vmem>>, vector<256x256xf32>
    %convert_element_type3A_5 = arith.truncf %get3A_4 : vector<256x256xf32> to vector<256x256xbf16>
    %dot_general3A = arith.constant dense<0.000000e+00> : vector<8192x256xf32>
    %dot_general3A_6 = tpu.matmul %convert_element_type3A, %convert_element_type3A_5, %dot_general3A {dimension_numbers = #tpu.dot_dimension_numbers<[1], [0], [0], [1], [0, 0, 1, 1], [], []>, transpose_lhs_hint = false} : vector<8192x256xbf16>, vector<256x256xbf16>, vector<8192x256xf32> -> vector<8192x256xf32>
    %get3A_7 = arith.constant 0 : index
    %get3A_8 = arith.constant 0 : index
    %get3A_9 = vector.load %arg3[%get3A_7, %get3A_8] : memref<1x256xf32, #tpu.memory_space<vmem>>, vector<1x256xf32>
    %add3A = vector.broadcast %get3A_9 : vector<1x256xf32> to vector<8192x256xf32>
    %add3A_10 = arith.addf %dot_general3A_6, %add3A : vector<8192x256xf32>
    %max3A = arith.constant 0.000000e+00 : f32
    %max3A_11 = vector.broadcast %max3A : f32 to vector<8192x256xf32>
    %max3A_12 = arith.maximumf %add3A_10, %max3A_11 : vector<8192x256xf32>
    %get3A_13 = arith.constant 0 : index
    %get3A_14 = arith.constant 0 : index
    %get3A_15 = vector.load %arg4[%get3A_13, %get3A_14] : memref<256x1xf32, #tpu.memory_space<vmem>>, vector<256x1xf32>
    %transpose3A = tpu.transpose %get3A_15, [1, 0] : vector<256x1xf32> -> vector<1x256xf32>
    %mul3A = vector.broadcast %transpose3A : vector<1x256xf32> to vector<8192x256xf32>
    %mul3A_16 = arith.mulf %max3A_12, %mul3A : vector<8192x256xf32>
    %reduce_sum3A = arith.constant dense<0.000000e+00> : vector<8192xf32>
    %reduce_sum3A_17 = vector.multi_reduction <add>, %mul3A_16, %reduce_sum3A [1] : vector<8192x256xf32> to vector<8192xf32>
    %broadcast_in_dim3A = vector.shape_cast %reduce_sum3A_17 : vector<8192xf32> to vector<8192x1xf32>
    %get3A_18 = arith.constant 0 : index
    %get3A_19 = arith.constant 0 : index
    %get3A_20 = vector.load %arg5[%get3A_18, %get3A_19] : memref<1x1xf32, #tpu.memory_space<vmem>>, vector<1x1xf32>
    %get3A_21 = vector.extract %get3A_20[0, 0] : f32 from vector<1x1xf32>
    %add3A_22 = vector.broadcast %get3A_21 : f32 to vector<8192x1xf32>
    %add3A_23 = arith.addf %broadcast_in_dim3A, %add3A_22 : vector<8192x1xf32>
    %swap3A = arith.constant 0 : index
    %swap3A_24 = arith.constant 0 : index
    %swap3A_25 = vector.load %arg6[%swap3A, %swap3A_24] : memref<8192x1xf32, #tpu.memory_space<vmem>>, vector<8192x1xf32>
    tpu.vector_store %arg6[%swap3A, %swap3A_24], %add3A_23 {strides = array<i32>} : memref<8192x1xf32, #tpu.memory_space<vmem>>, vector<8192x1xf32>,
    return
  }
  func.func @transform_0(%arg0: i32) -> (i32, i32) {
    %c0_i32 = arith.constant 0 : i32
    %c0_i32_0 = arith.constant 0 : i32
    return %arg0, %c0_i32 : i32, i32
  }
  func.func @transform_1(%arg0: i32) -> (i32, i32) {
    %c0_i32 = arith.constant 0 : i32
    %c0_i32_0 = arith.constant 0 : i32
    %c0_i32_1 = arith.constant 0 : i32
    return %c0_i32, %c0_i32_0 : i32, i32
  }
  func.func @transform_2(%arg0: i32) -> (i32, i32) {
    %c0_i32 = arith.constant 0 : i32
    %c0_i32_0 = arith.constant 0 : i32
    %c0_i32_1 = arith.constant 0 : i32
    return %c0_i32, %c0_i32_0 : i32, i32
  }
  func.func @transform_3(%arg0: i32) -> (i32, i32) {
    %c0_i32 = arith.constant 0 : i32
    %c0_i32_0 = arith.constant 0 : i32
    %c0_i32_1 = arith.constant 0 : i32
    return %c0_i32, %c0_i32_0 : i32, i32
  }
  func.func @transform_4(%arg0: i32) -> (i32, i32) {
    %c0_i32 = arith.constant 0 : i32
    %c0_i32_0 = arith.constant 0 : i32
    %c0_i32_1 = arith.constant 0 : i32
    return %c0_i32, %c0_i32_0 : i32, i32
  }
  func.func @transform_5(%arg0: i32) -> (i32, i32) {
    %c0_i32 = arith.constant 0 : i32
    %c0_i32_0 = arith.constant 0 : i32
    return %arg0, %c0_i32 : i32, i32
  }
}

</mosaic_0001>

<sc_bundles>
// kernel: kernel.4.cloned.1.call-start
scs
__scs_entry_jumppad:
0x0: {  	(pc) =	sbr.rel $0x88, $3  }
0x1: {  	(tag) =	ssettag $0x0;
	lr =	simm.s32 $0x1  }
0x2: {  	[smem:$0x3F97] =	sst lr;
	_ =	strace $0xD0000000  }
0x3: {  	_ = 	snop  }
0x4: {  	_ = 	snop  }
0x5: {  	_ = 	snop  }
0x6: {  	_ = 	snop  }
0x7: {  	_ = 	snop  }
__scs_overlays_trampoline_lowered:
0x8: {  	[smem:$0x3FA6] =	sst s0  }
0x9: {  	[smem:$0x3FA7] =	sst s1  }
0xa: {  	[smem:$0x3FA8] =	sst s2  }
0xb: {  	[smem:$0x3FA9] =	sst s3  }
0xc: {  	[smem:$0x3FAA] =	sst s4  }
0xd: {  	[smem:$0x3FAB] =	sst s5  }
0xe: {  	[smem:$0x3FAC] =	sst s6  }
0xf: {  	[smem:$0x3FAD] =	sst s7  }
0x10: {  	[smem:$0x3FAE] =	sst s8  }
0x11: {  	[smem:$0x3FAF] =	sst s9;
	s0 =	simm.s32 @!p0 $0x0  }
0x12: {  	s1 =	sld [smem:$0x3F95];
	s0 =	simm.s32 @p0 $0x1  }
0x13: {  	[smem:$0x3FB0] =	sst s0;
	s0 =	simm.s32 @!p1 $0x0  }
0x14: {  	s2 =	sld [smem:$0x3F94];
	s0 =	simm.s32 @p1 $0x1  }
0x15: {  	[smem:$0x3FB1] =	sst s0;
	s0 =	simm.s32 @!p2 $0x0  }
0x16: {  	s3 =	sld [smem:$0x3FDB];
	s0 =	simm.s32 @p2 $0x1  }
0x17: {  	s4 =	simm.s32 $0x1BF5;
	[smem:$0x3FB3] =	sst s0  }
0x18: {  	s0 =	sld [smem:$0x3F96];
	_ =	swait.ge [sflag:s4], $0x0  }
0x19: {  	s7 =	sld [smem:$0x3F97]  }
0x1a: {  	s8 =	sadd.s32 $0xFFFFE003, lr  }
0x1b: {  	s9 =	sadd.s32 $0xFFFFFEF7, lr;
	s5 =	simm.s32 $0xFFFFFFFF;
	p2 =	slt.u32 s8, $0xFFFFF086  }
0x1c: {  	p1 =	slt.u32 s9, $0xF7A;
	s5 =	simm.s32 @!p2 $0x0  }
0x1d: {  	s5 =	simm.s32 @p1 $0x1;
	p0 =	seq.s32 s7, s2  }
0x1e: {  	s7 =	smul.u32 @!p0 $0xF7A, s2;
	p2 =	seq.s32 @!p0 s5, $0x0  }
0x1f: {  	s9 =	smul.u32 $0xF7A, s1;
	s8 =	simm.s32 @!p0 $0x1BF5;
	p2 =	por !p2, p0  }
0x20: {  	[sflag:s8] =	ssyncset.s32 @!p0 $0xFFFFF086;
	s6 =	sadd.s32 @!p0 s3, s7;
	s7 =	simm.s32 @!p0 $0x108  }
0x21: {  	s3 =	sadd.s32 s3, s9;
	s6 =	sadd.s32 @!p0 $0x88, s6;
	s7 =	simm.s32 @p2 $0x1082  }
0x22: {  	[simem:s7], [sflag:s8] =	dma.local @!p0 [hbm:s6], $0xF7A  }
0x23: {  	s9 =	sor.u32 $0xD0000000, s2;
	s6 =	simm.s32 $0x108;
	_ =	swait.ge @!p0 [sflag:s8], $0x0  }
0x24: {  	s3 =	sadd.s32 $0x88, s3;
	s6 =	simm.s32 @!p1 $0x1082;
	[sflag:s4] =	ssyncset.s32 $0xFFFFF086  }
0x25: {  	[simem:s6], [sflag:s4] =	dma.local [hbm:s3], $0xF7A  }
0x26: {  	[smem:$0x3F97] =	sst s1;
	(tag) =	ssettag s2;
	_ =	strace s9  }
0x27: {  	s1 =	sld [smem:$0x3FA7]  }
0x28: {  	s2 =	sld [smem:$0x3FA8]  }
0x29: {  	s4 =	sld [smem:$0x3FAA]  }
0x2a: {  	p0 =	seq.s32 s5, $0x0;
	s5 =	sld [smem:$0x3FAB]  }
0x2b: {  	s6 =	sld [smem:$0x3FAC]  }
0x2c: {  	s7 =	sld [smem:$0x3FAD]  }
0x2d: {  	s3 =	simm.s32 $0x108;
	s8 =	sld [smem:$0x3FAE]  }
0x2e: {  	s3 =	simm.s32 @!p0 $0x1082;
	s9 =	sld [smem:$0x3FAF]  }
0x2f: {  	lr =	sadd.s32 s0, s3;
	s0 =	sld [smem:$0x3FA6]  }
0x30: {  	s3 =	sld [smem:$0x3FA9]  }
0x31: {  	[smem:$0x3FB2] =	sst s10  }
0x32: {  	s10 =	sld [smem:$0x3FB0];
	_ =	sdelay $0x3  }
0x33: {  	p0 =	seq.s32 s10, $0x1;
	s10 =	sld [smem:$0x3FB2];
	_ =	sdelay $0x3  }
0x34: {  	[smem:$0x3FB2] =	sst s10  }
0x35: {  	s10 =	sld [smem:$0x3FB1];
	_ =	sdelay $0x3  }
0x36: {  	p1 =	seq.s32 s10, $0x1;
	s10 =	sld [smem:$0x3FB2];
	_ =	sdelay $0x3  }
0x37: {  	[smem:$0x3FB2] =	sst s10  }
0x38: {  	s10 =	sld [smem:$0x3FB3]  }
0x39: {  	_ = 	snop;
	(pc) =	sbr.ind lr, $3  }
0x3a: {  	_ = 	snop  }
0x3b: {  	_ = 	snop  }
0x3c: {  	p2 =	seq.s32 s10, $0x1;
	s10 =	sld [smem:$0x3FB2]  }
0x3d: {  	_ =	shalt  }
0x3e: {  	_ =	shalt  }
0x3f: {  	_ =	shalt  }
0x40: {  	_ =	shalt  }
0x41: {  	_ =	shalt  }
0x42: {  	_ =	shalt  }
0x43: {  	_ =	shalt  }
0x44: {  	_ =	shalt  }
0x45: {  	_ =	shalt  }
0x46: {  	_ =	shalt  }
0x47: {  	_ =	shalt  }
0x48: {  	_ =	shalt  }
0x49: {  	_ =	shalt  }
0x4a: {  	_ =	shalt  }
0x4b: {  	_ =	shalt  }
0x4c: {  	_ =	shalt  }
0x4d: {  	_ =	shalt  }
0x4e: {  	_ =	shalt  }
0x4f: {  	_ =	shalt  }
0x50: {  	_ =	shalt  }
0x51: {  	_ =	shalt  }
0x52: {  	_ =	shalt  }
0x53: {  	_ =	shalt  }
0x54: {  	_ =	shalt  }
0x55: {  	_ =	shalt  }
0x56: {  	_ =	shalt  }
0x57: {  	_ =	shalt  }
0x58: {  	_ =	shalt  }
0x59: {  	_ =	shalt  }
0x5a: {  	_ =	shalt  }
0x5b: {  	_ =	shalt  }
0x5c: {  	_ =	shalt  }
0x5d: {  	_ =	shalt  }
0x5e: {  	_ =	shalt  }
0x5f: {  	_ =	shalt  }
0x60: {  	_ =	shalt  }
0x61: {  	_ =	shalt  }
0x62: {  	_ =	shalt  }
0x63: {  	_ =	shalt  }
0x64: {  	_ =	shalt  }
0x65: {  	_ =	shalt  }
0x66: {  	_ =	shalt  }
0x67: {  	_ =	shalt  }
0x68: {  	_ =	shalt  }
0x69: {  	_ =	shalt  }
0x6a: {  	_ =	shalt  }
0x6b: {  	_ =	shalt  }
0x6c: {  	_ =	shalt  }
0x6d: {  	_ =	shalt  }
0x6e: {  	_ =	shalt  }
0x6f: {  	_ =	shalt  }
0x70: {  	_ =	shalt  }
0x71: {  	_ =	shalt  }
0x72: {  	_ =	shalt  }
0x73: {  	_ =	shalt  }
0x74: {  	_ =	shalt  }
0x75: {  	_ =	shalt  }
0x76: {  	_ =	shalt  }
0x77: {  	_ =	shalt  }
0x78: {  	_ =	shalt  }
0x79: {  	_ =	shalt  }
0x7a: {  	_ =	shalt  }
0x7b: {  	_ =	shalt  }
0x7c: {  	_ =	shalt  }
0x7d: {  	_ =	shalt  }
0x7e: {  	_ =	shalt  }
0x7f: {  	_ =	shalt  }
0x80: {  	_ =	shalt  }
0x81: {  	_ =	shalt  }
0x82: {  	_ =	shalt  }
0x83: {  	_ =	shalt  }
0x84: {  	_ =	shalt  }
0x85: {  	_ =	shalt  }
0x86: {  	_ =	shalt  }
0x87: {  	_ =	shalt  }
.Lfunc_end0:
.L_simem_size_0:
called_computation_lowered:
.L_overlay_start_0:
0x88: {  	s2 =	sld [smem:$0x3FD9]  }
0x89: {  	s3 =	sld [smem:$0x3FFE];
	_ =	sdelay $0x1  }
0x8a: {  	s1 =	srdreg.scid  }
0x8b: {  	s0 =	sand.u32 $0x1, s1  }
0x8c: {  	s17 =	sshll.u32 s0, $0xA;
	s2 =	sadd.s32 s3, s2  }
0x8d: {  	s2 =	sadd.s32 s2, s17  }
0x8e: {  	[smem:$0x3FBE] =	sst s2  }
0x8f: {  	_ = 	snop  }
0x90: {  	s2 =	sld [smem:$0x3FC9]  }
0x91: {  	s18 =	sld [smem:$0x3FC8]  }
0x92: {  	s4 =	sld [smem:$0x3FC5]  }
0x93: {  	s5 =	sld [smem:$0x3FC4]  }
0x94: {  	s6 =	sld [smem:$0x3FD0];
	(tm) =	ssettm $0x1  }
0x95: {  	s7 =	sld [smem:$0x3FFB];
	_ =	sdelay $0x3  }
0x96: {  	_ =	strace s7  }
0x97: {  	s7 =	sld [smem:$0x3FFC];
	_ =	sdelay $0x3  }
0x98: {  	_ =	strace s7  }
0x99: {  	s7 =	sld [smem:$0x3FFD];
	_ =	sdelay $0x3  }
0x9a: {  	_ =	strace s7  }
0x9b: {  	_ =	strace $0x8FFFFFFF  }
0x9c: {  	s19 =	sld [smem:$0x3FDB];
	_ =	sdelay $0x1  }
0x9d: {  	s8 =	simm.s32 $_scs_section_size  }
0x9e: {  	s9 =	simm.s32 $_size__tile_overlayer_lowered;
	s10 =	simm.s32 $_tile_overlayer_lowered  }
0x9f: {  	s22 =	simm.s32 $0x1BFF;
	s21 =	sshll.u32 s10, $0x1;
	s7 =	sadd.s32 s8, s19  }
0xa0: {  	s11 =	simm.s32 $0x0;
	s20 =	sshll.u32 s9, $0x1;
	s9 =	sadd.s32 s21, s7  }
0xa1: {  	[timem:s11], [sflag:s22] =	dma.local [hbm:s9], s20  }
0xa2: {  	_ =	swait.ge [sflag:s22], s20  }
0xa3: {  	s8 =	ssub.s32 $0x0, s20;
	[sflag:s22] =	ssyncset.done $0x0  }
0xa4: {  	[sflag:s22] =	ssyncadd.s32 s8;
	_ =	sdelay $0x1  }
0xa5: {  	s23 =	simm.s32 $0x1B8B  }
0xa6: {  	_ =	swait.ge [sflag:s23], $0x1  }
0xa7: {  	[sflag:s23] =	ssyncset.done $0x0  }
0xa8: {  	s25 =	simm.s32 $0x1B8E;
	s24 =	sld [smem:$0x3FFE];
	[sflag:s23] =	ssyncadd.s32 $0xFFFFFFFF  }
0xa9: {  	s26 =	simm.s32 $execute0_lowered;
	[smem:$0x3FD2] =	sst s25  }
0xaa: {  	s9 =	sshll.u32 s26, $0x1;
	_ =	strace $0x80000046;
	[dreg:$0x1] =	wrdreg $0xFFFFFFFF  }
0xab: {  	s28 =	simm.s32 $_size_execute0_lowered;
	s7 =	sadd.s32 s7, s9;
	[dreg:$0x0] =	wrdreg $0x0  }
0xac: {  	s9 =	sshll.u32 s28, $0x1;
	[dreg:$0x2] =	wrdreg s7  }
0xad: {  	[dreg:$0x3] =	wrdreg s9  }
0xae: {  	[dreg:$0x4] =	wrdreg $0xC0  }
0xaf: {  	_ =	task [dreg:s11], $0x5FFFF  }
0xb0: {  	[dreg:$0x1] =	wrdreg $0xFFFFFFFF  }
0xb1: {  	[dreg:$0x0] =	wrdreg $0x60  }
0xb2: {  	[dreg:$0x2] =	wrdreg s2  }
0xb3: {  	[dreg:$0x3] =	wrdreg s18  }
0xb4: {  	[dreg:$0x4] =	wrdreg s6  }
0xb5: {  	[dreg:$0x5] =	wrdreg s24  }
0xb6: {  	[dreg:$0x6] =	wrdreg s4  }
0xb7: {  	[dreg:$0x7] =	wrdreg s5  }
0xb8: {  	[dreg:$0x8] =	wrdreg $0x9  }
0xb9: {  	_ =	task.clear_ibuf [dreg:s11], $0x9FFFF;
	_ =	strace $0x90000046  }
0xba: {  	s29 =	simm.s32 $0x9;
	_ =	strace $0x80000048  }
0xbb: {  	_ =	swait.ge [sflag:s29], $0x1  }
0xbc: {  	[sflag:s29] =	ssyncadd.s32 $0xFFFFFFFF  }
0xbd: {  	_ =	strace $0x90000048  }
0xbe: {  	_ =	sfence  }
0xbf: {  	s30 =	sld [smem:$0x0];
	_ =	sdelay $0x2  }
0xc0: {  	s31 =	sshll.u32 s1, $0xD;
	s1 =	sshrl.u32 s1, $0x2  }
0xc1: {  	s3 =	sand.u32 $0x4000, s31;
	s1 =	sadd.s32 s1, s30  }
0xc2: {  	s0 =	sor.u32 s3, s0;
	s1 =	sshll.u32 s1, $0x11  }
0xc3: {  	s0 =	sor.u32 s1, s0  }
0xc4: {  	s0 =	sadd.s32 $0x8F2B, s0  }
0xc5: {  	[sflag:s0] =	ssyncadd.remote.s32 $0x1  }
0xc6: {  	_ =	sfence.sel $0xFFFF  }
0xc7: {  	[dreg:$0x0] =	wrdreg $0xFFFFFFFF;
	(pc) =	sbr.abs _section_cstart, $3  }
0xc8: {  	[dreg:$0x1] =	wrdreg $0xFFFFFFFF  }
0xc9: {  	_ =	task.clear_ibuf [dreg:s11], $0x2FFFF;
	_ =	strace $0x9FFFFFFF  }
0xca: {  	(tm) =	ssettm $0x7FFFFFFF  }
0xcb: {  	_ =	shalt  }
tec
execute0_lowered:
.L_overlay_start_1:
0x0: {  	(tag) =	ssettag $0x1  }
0x1: {  	s1 =	rddreg [dreg:$0x0]  }
0x2: {  	s2 =	rddreg [dreg:$0x1]  }
0x3: {  	s0 =	rddreg [dreg:$0x2]  }
0x4: {  	s4 =	srdreg.scid;
	s6 =	stileid.u32;
	s7 =	simm.s32 $0x0  }
0x5: {  	s4 =	sand.u32 $0x1, s4;
	s5 =	sshll.u32 s6, $0x1;
	[smem:$0x7FF] =	sst s7  }
0x6: {  	s3 =	rddreg [dreg:$0x3];
	s5 =	sor.u32 s4, s5;
	_ =	strace $0x80000047  }
0x7: {  	p1 =	seq.s32 s4, $0x1;
	s4 =	ssub.s32 $0x2, s4;
	s30 =	sshll.u32 s5, $0x7  }
0x8: {  	p0 =	seq.s32 s5, $0x0;
	s5 =	sshll.u32 s5, $0xF;
	s9 =	sshrl.u32 s4, $0x1  }
0x9: {  	s8 =	sadd.s32 s30, s3;
	s3 =	sadd.s32 s5, s3;
	s0 =	sadd.s32 s0, s30  }
0xa: {  	s4 =	ssub.s32 s4, s9;
	[dreg:$0x7] =	wrdreg s0;
	s9 =	sadd.s32 $0xA00, s8  }
0xb: {  	s11 =	sadd.s32 $0x1A80, s3;
	[dreg:$0x8] =	wrdreg s9  }
0xc: {  	s12 =	sadd.s32 $0x2A00, s3;
	[dreg:$0xa] =	wrdreg s11  }
0xd: {  	s13 =	sadd.s32 $0x2A80, s3;
	[dreg:$0xb] =	wrdreg s12  }
0xe: {  	s14 =	sadd.s32 $0x3A00, s3;
	[dreg:$0xc] =	wrdreg s13  }
0xf: {  	s15 =	sadd.s32 $0x3A80, s3;
	[dreg:$0xd] =	wrdreg s14  }
0x10: {  	s16 =	sadd.s32 $0x4A00, s3;
	[dreg:$0xe] =	wrdreg s15  }
0x11: {  	s10 =	simm.s32 $0x1;
	s17 =	sadd.s32 $0x4A80, s3;
	[dreg:$0xf] =	wrdreg s16  }
0x12: {  	s28 =	simm.s32 $0xF;
	s18 =	sadd.s32 $0x5A00, s3;
	[dreg:$0x10] =	wrdreg s17  }
0x13: {  	s29 =	simm.s32 $0x80;
	s19 =	sadd.s32 $0x5A80, s3;
	[dreg:$0x11] =	wrdreg s18  }
0x14: {  	s31 =	simm.s32 $0x100;
	s20 =	sadd.s32 $0x6A00, s3;
	[dreg:$0x12] =	wrdreg s19  }
0x15: {  	s7 =	simm.s32 $0x10900;
	s21 =	sadd.s32 $0x6A80, s3;
	[dreg:$0x13] =	wrdreg s20  }
0x16: {  	p0 =	por !p0, !p1;
	s22 =	sadd.s32 $0x7A00, s3;
	[dreg:$0x14] =	wrdreg s21  }
0x17: {  	p0 =	por !p0, !p0;
	s24 =	sadd.s32 $0x7A80, s3;
	[dreg:$0x15] =	wrdreg s22  }
0x18: {  	s25 =	sadd.s32 $0x8A00, s3;
	s26 =	sadd.s32 $0x8A80, s3;
	[dreg:$0x16] =	wrdreg s24  }
0x19: {  	s30 =	smax.u32 s4, $0x1;
	s0 =	simm.s32 $0x900;
	[dreg:$0x17] =	wrdreg s25  }
0x1a: {  	s4 =	simm.s32 $0xC900;
	s8 =	simm.s32 $0x400;
	[dreg:$0x18] =	wrdreg s26  }
0x1b: {  	s10 =	simm.s32 @!p0 $0x0;
	[dreg:$0x19] =	wrdreg s30;
	s26 =	simm.s32 $0x1  }
0x1c: {  	s9 =	simm.s32 $0x800;
	s11 =	simm.s32 $0x2;
	s12 =	simm.s32 $0x18900  }
0x1d: {  	s13 =	simm.s32 $0x3;
	s14 =	simm.s32 $0x8;
	s15 =	simm.s32 $0x4  }
0x1e: {  	s16 =	simm.s32 $0x9;
	s17 =	simm.s32 $0x5;
	s18 =	simm.s32 $0xA  }
0x1f: {  	s19 =	simm.s32 $0x6;
	s20 =	simm.s32 $0xB;
	s21 =	simm.s32 $0x7  }
0x20: {  	s22 =	simm.s32 $0xC;
	s24 =	simm.s32 $0xE;
	s23 =	ssub.s32 s6, s10  }
0x21: {  	v1 =	vlaneseq.u32;
	s25 =	simm.s32 $0x0;
	s10 =	sadd.s32 $0x1A00, s3;
	s3 =	simm.s32 $0x4900;
	v0 =	vmov s23  }
0x22: {  	[dreg:$0x9] =	wrdreg s10;
	s10 =	simm.s32 $0x14900;
	s23 =	simm.s32 $0xD;
	vm0 =	vgt.s32 v0, v1  }
.LBB2_1:
0x23: {  	s6 =	rddreg [dreg:$0x4];
	s30 =	simm.s32 $0x0  }
0x24: {  	[tilespmem:s30], [sflag:$0xF] =	stream.linear.gather [hbm4b:s6+s30], $0x80, $0x38;
	[tilespmem:$0x1C900] =	vst v63  }
0x25: {  	_ =	swait.ge [sflag:s28], $0x80  }
0x26: {  	[sflag:s28] =	ssyncset.done $0x0  }
0x27: {  	[sflag:s28] =	ssyncadd.s32 $0xFFFFFF80  }
0x28: {  	s6 =	rddreg [dreg:$0x5]  }
0x29: {  	[tilespmem:s29], [sflag:$0xF] =	stream.linear.gather [hbm4b:s6+s30], $0x80, $0x38;
	[tilespmem:$0x1C900] =	vst v63  }
0x2a: {  	_ =	swait.ge [sflag:s28], $0x80  }
0x2b: {  	[sflag:s28] =	ssyncset.done $0x0  }
0x2c: {  	s6 =	rddreg [dreg:$0x7];
	[sflag:s28] =	ssyncadd.s32 $0xFFFFFF80  }
0x2d: {  	[tilespmem:s31], [sflag:$0xF] =	stream.linear.gather [hbm4b:s6+s30], $0x400, $0x38;
	[tilespmem:$0x1C900] =	vst v63  }
0x2e: {  	_ =	swait.ge [sflag:s28], $0x400  }
0x2f: {  	[sflag:s28] =	ssyncset.done $0x0  }
0x30: {  	s5 =	simm.s32 $0x500;
	s6 =	rddreg [dreg:$0x8];
	[sflag:s28] =	ssyncadd.s32 $0xFFFFFC00  }
0x31: {  	[tilespmem:s5], [sflag:$0xF] =	stream.linear.gather [hbm4b:s6+s30], $0x400, $0x38;
	[tilespmem:$0x1C900] =	vst v63  }
0x32: {  	_ =	swait.ge [sflag:s28], $0x400  }
0x33: {  	[sflag:s28] =	ssyncset.done $0x0  }
0x34: {  	[sflag:s28] =	ssyncadd.s32 $0xFFFFFC00  }
0x35: {  	v0 =	vld [tilespmem:$0x0]  }
0x36: {  	v1 =	vld [tilespmem:$0x80];
	_ =	sdelay $0x3  }
0x37: {  	v0 =	vnsel vm0, $0x0, v0  }
0x38: {  	(xrf0) =	vadd.scan.msk.s32 $0xffff, v0;
	v0 =	vnsel vm0, $0x0, v1  }
0x39: {  	(xrf0) =	vadd.scan.msk.s32 $0xffff, v0;
	_ =	sdelay $0x4  }
0x3a: {  	v0, _, _ =	vpop (xrf0)  }
0x3b: {  	s30 =	simm.s32 $0x0;
	v2, _, _ =	vpop (xrf0)  }
0x3c: {  	s31 =	simm.s32 $0x40;
	v1 =	vbroadcast v0, $0xF;
	v0 =	vbroadcast v2, $0xF;
	v2 =	vld [tilespmem:s30+$0x100]  }
.LBB2_2:
0x3d: {  	p0 =	sne.s32 s31, $0xFC0;
	v3 =	vld [tilespmem:s30+$0x500];
	_ =	sdelay $0x1  }
.Ltmp0:
0x3e: {  	(pc) =	sbr.rel @p0 .LBB2_2-.Ltmp0, $4  }
0x3f: {  	_ = 	snop  }
0x40: {  	v2 =	vadd.s32 v1, v2  }
0x41: {  	s6 =	sshra.s32 s31, $0x2;
	[tilespmem:s30+$0x100] =	vst v2;
	v3 =	vadd.s32 v0, v3  }
0x42: {  	s31 =	sadd.s32 $0x40, s31;
	v2 =	vld [tilespmem:s6+$0x100];
	[tilespmem:s30+$0x500] =	vst v3;
	s30 =	smov.u32 s6  }
0x43: {  	v3 =	vld [tilespmem:s30+$0x500];
	_ =	sdelay $0x3  }
0x44: {  	v1 =	vadd.s32 v1, v2  }
0x45: {  	[tilespmem:s30+$0x100] =	vst v1;
	v0 =	vadd.s32 v0, v3  }
0x46: {  	s31 =	simm.s32 $0x100;
	[tilespmem:s30+$0x500] =	vst v0  }
0x47: {  	[tilespmem:s0], [sflag:$0x1] =	stream.indirect.gather [hbm4b:s1+s29], $0x80, s31, s29, $0xb8;
	[tilespmem:$0x1C900] =	vst v63  }
0x48: {  	s5 =	simm.s32 $0x500  }
0x49: {  	[tilespmem:s3], [sflag:$0x2] =	stream.indirect.gather [hbm4b:s2+s29], $0x80, s5, s29, $0xb8;
	[tilespmem:$0x1C900] =	vst v63  }
0x4a: {  	s6 =	simm.s32 $0x180;
	s30 =	simm.s32 $0x8900  }
0x4b: {  	[tilespmem:s30], [sflag:$0x3] =	stream.indirect.gather [hbm4b:s1+s29], $0x80, s6, s29, $0xb8;
	[tilespmem:$0x1C900] =	vst v63  }
0x4c: {  	s6 =	simm.s32 $0x580  }
0x4d: {  	[tilespmem:s4], [sflag:$0x4] =	stream.indirect.gather [hbm4b:s2+s29], $0x80, s6, s29, $0xb8;
	[tilespmem:$0x1C900] =	vst v63  }
0x4e: {  	s6 =	simm.s32 $0x200  }
0x4f: {  	[tilespmem:s7], [sflag:$0x5] =	stream.indirect.gather [hbm4b:s1+s29], $0x80, s6, s29, $0xb8;
	[tilespmem:$0x1C900] =	vst v63  }
0x50: {  	_ =	swait.ge [sflag:s26], $0x4000  }
0x51: {  	[sflag:s26] =	ssyncset.done $0x0  }
0x52: {  	s6 =	rddreg [dreg:$0x9];
	[sflag:s26] =	ssyncadd.s32 $0xFFFFC000  }
0x53: {  	[hbm4b:s6+s8] =	stream.strided.scatter [tilespmem:s0], [sflag:$0x8], $0x4000, s9, s8, $0x38;
	[tilespmem:$0x1C900] =	vst v63  }
0x54: {  	s6 =	simm.s32 $0x600  }
0x55: {  	[tilespmem:s10], [sflag:$0x6] =	stream.indirect.gather [hbm4b:s2+s29], $0x80, s6, s29, $0xb8;
	[tilespmem:$0x1C900] =	vst v63  }
0x56: {  	_ =	swait.ge [sflag:s11], $0x4000  }
0x57: {  	[sflag:s11] =	ssyncset.done $0x0  }
0x58: {  	s5 =	rddreg [dreg:$0xa];
	[sflag:s11] =	ssyncadd.s32 $0xFFFFC000  }
0x59: {  	[hbm4b:s5+s8] =	stream.strided.scatter [tilespmem:s3], [sflag:$0x9], $0x4000, s9, s8, $0x38;
	[tilespmem:$0x1C900] =	vst v63  }
0x5a: {  	s6 =	simm.s32 $0x280  }
0x5b: {  	[tilespmem:s12], [sflag:$0x7] =	stream.indirect.gather [hbm4b:s1+s29], $0x80, s6, s29, $0xb8;
	[tilespmem:$0x1C900] =	vst v63  }
0x5c: {  	_ =	swait.ge [sflag:s13], $0x4000  }
0x5d: {  	[sflag:s13] =	ssyncset.done $0x0  }
0x5e: {  	s5 =	rddreg [dreg:$0xb];
	[sflag:s13] =	ssyncadd.s32 $0xFFFFC000  }
0x5f: {  	[hbm4b:s5+s8] =	stream.strided.scatter [tilespmem:s30], [sflag:$0xA], $0x4000, s9, s8, $0x38;
	[tilespmem:$0x1C900] =	vst v63  }
0x60: {  	_ =	swait.ge [sflag:s14], $0x4000  }
0x61: {  	[sflag:s14] =	ssyncset.done $0x0  }
0x62: {  	s6 =	simm.s32 $0x680;
	[sflag:s14] =	ssyncadd.s32 $0xFFFFC000  }
0x63: {  	[tilespmem:s0], [sflag:$0x1] =	stream.indirect.gather [hbm4b:s2+s29], $0x80, s6, s29, $0xb8;
	[tilespmem:$0x1C900] =	vst v63  }
0x64: {  	_ =	swait.ge [sflag:s15], $0x4000  }
0x65: {  	[sflag:s15] =	ssyncset.done $0x0  }
0x66: {  	s5 =	rddreg [dreg:$0xc];
	[sflag:s15] =	ssyncadd.s32 $0xFFFFC000  }
0x67: {  	[hbm4b:s5+s8] =	stream.strided.scatter [tilespmem:s4], [sflag:$0xB], $0x4000, s9, s8, $0x38;
	[tilespmem:$0x1C900] =	vst v63  }
0x68: {  	_ =	swait.ge [sflag:s16], $0x4000  }
0x69: {  	[sflag:s16] =	ssyncset.done $0x0  }
0x6a: {  	s6 =	simm.s32 $0x300;
	[sflag:s16] =	ssyncadd.s32 $0xFFFFC000  }
0x6b: {  	[tilespmem:s3], [sflag:$0x2] =	stream.indirect.gather [hbm4b:s1+s29], $0x80, s6, s29, $0xb8;
	[tilespmem:$0x1C900] =	vst v63  }
0x6c: {  	_ =	swait.ge [sflag:s17], $0x4000  }
0x6d: {  	[sflag:s17] =	ssyncset.done $0x0  }
0x6e: {  	s5 =	rddreg [dreg:$0xd];
	[sflag:s17] =	ssyncadd.s32 $0xFFFFC000  }
0x6f: {  	[hbm4b:s5+s8] =	stream.strided.scatter [tilespmem:s7], [sflag:$0xC], $0x4000, s9, s8, $0x38;
	[tilespmem:$0x1C900] =	vst v63  }
0x70: {  	_ =	swait.ge [sflag:s18], $0x4000  }
0x71: {  	[sflag:s18] =	ssyncset.done $0x0  }
0x72: {  	s6 =	simm.s32 $0x700;
	[sflag:s18] =	ssyncadd.s32 $0xFFFFC000  }
0x73: {  	[tilespmem:s30], [sflag:$0x3] =	stream.indirect.gather [hbm4b:s2+s29], $0x80, s6, s29, $0xb8;
	[tilespmem:$0x1C900] =	vst v63  }
0x74: {  	_ =	swait.ge [sflag:s19], $0x4000  }
0x75: {  	[sflag:s19] =	ssyncset.done $0x0  }
0x76: {  	s5 =	rddreg [dreg:$0xe];
	[sflag:s19] =	ssyncadd.s32 $0xFFFFC000  }
0x77: {  	[hbm4b:s5+s8] =	stream.strided.scatter [tilespmem:s10], [sflag:$0xD], $0x4000, s9, s8, $0x38;
	[tilespmem:$0x1C900] =	vst v63  }
0x78: {  	_ =	swait.ge [sflag:s20], $0x4000  }
0x79: {  	[sflag:s20] =	ssyncset.done $0x0  }
0x7a: {  	s6 =	simm.s32 $0x380;
	[sflag:s20] =	ssyncadd.s32 $0xFFFFC000  }
0x7b: {  	[tilespmem:s4], [sflag:$0x4] =	stream.indirect.gather [hbm4b:s1+s29], $0x80, s6, s29, $0xb8;
	[tilespmem:$0x1C900] =	vst v63  }
0x7c: {  	_ =	swait.ge [sflag:s21], $0x4000  }
0x7d: {  	[sflag:s21] =	ssyncset.done $0x0  }
0x7e: {  	s5 =	rddreg [dreg:$0xf];
	[sflag:s21] =	ssyncadd.s32 $0xFFFFC000  }
0x7f: {  	[hbm4b:s5+s8] =	stream.strided.scatter [tilespmem:s12], [sflag:$0xE], $0x4000, s9, s8, $0x38;
	[tilespmem:$0x1C900] =	vst v63  }
0x80: {  	_ =	swait.ge [sflag:s22], $0x4000  }
0x81: {  	[sflag:s22] =	ssyncset.done $0x0  }
0x82: {  	s6 =	simm.s32 $0x780;
	[sflag:s22] =	ssyncadd.s32 $0xFFFFC000  }
0x83: {  	[tilespmem:s7], [sflag:$0x5] =	stream.indirect.gather [hbm4b:s2+s29], $0x80, s6, s29, $0xb8;
	[tilespmem:$0x1C900] =	vst v63  }
0x84: {  	_ =	swait.ge [sflag:s26], $0x4000  }
0x85: {  	[sflag:s26] =	ssyncset.done $0x0  }
0x86: {  	s5 =	rddreg [dreg:$0x10];
	[sflag:s26] =	ssyncadd.s32 $0xFFFFC000  }
0x87: {  	[hbm4b:s5+s8] =	stream.strided.scatter [tilespmem:s0], [sflag:$0x8], $0x4000, s9, s8, $0x38;
	[tilespmem:$0x1C900] =	vst v63  }
0x88: {  	_ =	swait.ge [sflag:s23], $0x4000  }
0x89: {  	[sflag:s23] =	ssyncset.done $0x0  }
0x8a: {  	[sflag:s23] =	ssyncadd.s32 $0xFFFFC000  }
0x8b: {  	[tilespmem:s10], [sflag:$0x6] =	stream.indirect.gather [hbm4b:s1+s29], $0x80, s8, s29, $0xb8;
	[tilespmem:$0x1C900] =	vst v63  }
0x8c: {  	_ =	swait.ge [sflag:s11], $0x4000  }
0x8d: {  	[sflag:s11] =	ssyncset.done $0x0  }
0x8e: {  	s5 =	rddreg [dreg:$0x11];
	[sflag:s11] =	ssyncadd.s32 $0xFFFFC000  }
0x8f: {  	[hbm4b:s5+s8] =	stream.strided.scatter [tilespmem:s3], [sflag:$0x9], $0x4000, s9, s8, $0x38;
	[tilespmem:$0x1C900] =	vst v63  }
0x90: {  	_ =	swait.ge [sflag:s24], $0x4000  }
0x91: {  	[sflag:s24] =	ssyncset.done $0x0  }
0x92: {  	[sflag:s24] =	ssyncadd.s32 $0xFFFFC000  }
0x93: {  	[tilespmem:s12], [sflag:$0x7] =	stream.indirect.gather [hbm4b:s2+s29], $0x80, s9, s29, $0xb8;
	[tilespmem:$0x1C900] =	vst v63  }
0x94: {  	_ =	swait.ge [sflag:s13], $0x4000  }
0x95: {  	[sflag:s13] =	ssyncset.done $0x0  }
0x96: {  	s5 =	rddreg [dreg:$0x12];
	[sflag:s13] =	ssyncadd.s32 $0xFFFFC000  }
0x97: {  	[hbm4b:s5+s8] =	stream.strided.scatter [tilespmem:s30], [sflag:$0xA], $0x4000, s9, s8, $0x38;
	[tilespmem:$0x1C900] =	vst v63  }
0x98: {  	_ =	swait.ge [sflag:s14], $0x4000  }
0x99: {  	[sflag:s14] =	ssyncset.done $0x0  }
0x9a: {  	s30 =	simm.s32 $0x480;
	[sflag:s14] =	ssyncadd.s32 $0xFFFFC000  }
0x9b: {  	[tilespmem:s0], [sflag:$0x1] =	stream.indirect.gather [hbm4b:s1+s29], $0x80, s30, s29, $0xb8;
	[tilespmem:$0x1C900] =	vst v63  }
0x9c: {  	_ =	swait.ge [sflag:s15], $0x4000  }
0x9d: {  	[sflag:s15] =	ssyncset.done $0x0  }
0x9e: {  	s5 =	rddreg [dreg:$0x13];
	[sflag:s15] =	ssyncadd.s32 $0xFFFFC000  }
0x9f: {  	[hbm4b:s5+s8] =	stream.strided.scatter [tilespmem:s4], [sflag:$0xB], $0x4000, s9, s8, $0x38;
	[tilespmem:$0x1C900] =	vst v63  }
0xa0: {  	_ =	swait.ge [sflag:s16], $0x4000  }
0xa1: {  	[sflag:s16] =	ssyncset.done $0x0  }
0xa2: {  	s30 =	simm.s32 $0x880;
	[sflag:s16] =	ssyncadd.s32 $0xFFFFC000  }
0xa3: {  	[tilespmem:s3], [sflag:$0x2] =	stream.indirect.gather [hbm4b:s2+s29], $0x80, s30, s29, $0xb8;
	[tilespmem:$0x1C900] =	vst v63  }
0xa4: {  	_ =	swait.ge [sflag:s17], $0x4000  }
0xa5: {  	[sflag:s17] =	ssyncset.done $0x0  }
0xa6: {  	s5 =	rddreg [dreg:$0x14];
	[sflag:s17] =	ssyncadd.s32 $0xFFFFC000  }
0xa7: {  	[hbm4b:s5+s8] =	stream.strided.scatter [tilespmem:s7], [sflag:$0xC], $0x4000, s9, s8, $0x38;
	[tilespmem:$0x1C900] =	vst v63  }
0xa8: {  	_ =	swait.ge [sflag:s19], $0x4000  }
0xa9: {  	[sflag:s19] =	ssyncset.done $0x0  }
0xaa: {  	s30 =	rddreg [dreg:$0x15];
	[sflag:s19] =	ssyncadd.s32 $0xFFFFC000  }
0xab: {  	[hbm4b:s30+s8] =	stream.strided.scatter [tilespmem:s10], [sflag:$0xD], $0x4000, s9, s8, $0x38;
	[tilespmem:$0x1C900] =	vst v63  }
0xac: {  	_ =	swait.ge [sflag:s21], $0x4000  }
0xad: {  	[sflag:s21] =	ssyncset.done $0x0  }
0xae: {  	s5 =	rddreg [dreg:$0x16];
	[sflag:s21] =	ssyncadd.s32 $0xFFFFC000  }
0xaf: {  	[hbm4b:s5+s8] =	stream.strided.scatter [tilespmem:s12], [sflag:$0xE], $0x4000, s9, s8, $0x38;
	[tilespmem:$0x1C900] =	vst v63  }
0xb0: {  	_ =	swait.ge [sflag:s26], $0x4000  }
0xb1: {  	[sflag:s26] =	ssyncset.done $0x0  }
0xb2: {  	s30 =	rddreg [dreg:$0x17];
	[sflag:s26] =	ssyncadd.s32 $0xFFFFC000  }
0xb3: {  	[hbm4b:s30+s8] =	stream.strided.scatter [tilespmem:s0], [sflag:$0x8], $0x4000, s9, s8, $0x38;
	[tilespmem:$0x1C900] =	vst v63  }
0xb4: {  	_ =	swait.ge [sflag:s11], $0x4000  }
0xb5: {  	[sflag:s11] =	ssyncset.done $0x0  }
0xb6: {  	s5 =	rddreg [dreg:$0x18];
	[sflag:s11] =	ssyncadd.s32 $0xFFFFC000  }
0xb7: {  	[hbm4b:s5+s8] =	stream.strided.scatter [tilespmem:s3], [sflag:$0x9], $0x4000, s9, s8, $0x38;
	[tilespmem:$0x1C900] =	vst v63  }
0xb8: {  	_ =	swait.ge [sflag:s18], $0x4000  }
0xb9: {  	[sflag:s18] =	ssyncset.done $0x0  }
0xba: {  	[sflag:s18] =	ssyncadd.s32 $0xFFFFC000  }
0xbb: {  	_ =	swait.ge [sflag:s20], $0x4000  }
0xbc: {  	[sflag:s20] =	ssyncset.done $0x0  }
0xbd: {  	[sflag:s20] =	ssyncadd.s32 $0xFFFFC000  }
0xbe: {  	_ =	swait.ge [sflag:s22], $0x4000  }
0xbf: {  	[sflag:s22] =	ssyncset.done $0x0  }
0xc0: {  	[sflag:s22] =	ssyncadd.s32 $0xFFFFC000  }
0xc1: {  	_ =	swait.ge [sflag:s23], $0x4000  }
0xc2: {  	[sflag:s23] =	ssyncset.done $0x0  }
0xc3: {  	[sflag:s23] =	ssyncadd.s32 $0xFFFFC000  }
0xc4: {  	_ =	swait.ge [sflag:s24], $0x4000  }
0xc5: {  	[sflag:s24] =	ssyncset.done $0x0  }
0xc6: {  	[sflag:s24] =	ssyncadd.s32 $0xFFFFC000  }
0xc7: {  	_ =	swait.ge [sflag:s14], $0x4000  }
0xc8: {  	[sflag:s14] =	ssyncset.done $0x0  }
0xc9: {  	[sflag:s14] =	ssyncadd.s32 $0xFFFFC000  }
0xca: {  	_ =	swait.ge [sflag:s16], $0x4000  }
0xcb: {  	s25 =	sadd.s32 $0x1, s25;
	s30 =	rddreg [dreg:$0x19]  }
0xcc: {  	p0 =	sne.s32 s25, s30  }
.Ltmp1:
0xcd: {  	_ = 	snop;
	(pc) =	sbr.rel @p0 .LBB2_1-.Ltmp1, $3  }
0xce: {  	_ =	sdelay $0x1  }
0xcf: {  	[sflag:s16] =	ssyncset.done $0x0  }
0xd0: {  	[sflag:s16] =	ssyncadd.s32 $0xFFFFC000  }
0xd1: {  	_ =	sfence.sel $0x180000  }
0xd2: {  	[bflag:$0x0] =	sbarrier.arrive $0xFFFF  }
0xd3: {  	_ =	strace $0x90000047  }
0xd4: {  	s0 =	stileid.u32;
	[bflag:$0x2] =	sbarrier.arrive $0xFFFF  }
0xd5: {  	p0 =	sne.s32 s0, $0x0;
	s0 =	rddreg [dreg:$0x6]  }
0xd6: {  	s0 =	sadd.s32 @!p0 $0x100000, s0  }
0xd7: {  	[sflag:s0] =	ssyncadd.tile.s32 @!p0 $0x1;
	_ =	shalt  }
.Lfunc_end2:
_tile_overlayer_lowered:
.L_overlay_start_2:
0xd8: {  	(tag) =	ssettag $0x2  }
0xd9: {  	s0 =	rddreg [dreg:$0x0];
	s2 =	stileid.u32  }
0xda: {  	s1 =	rddreg [dreg:$0x1];
	p0 =	sne.s32 s2, $0x0  }
0xdb: {  	s3 =	rddreg [dreg:$0x2];
	[bflag:$0x3] =	sbarrier.arrive $0xFFFF;
	s2 =	simm.s32 @!p0 $0x1C0F  }
0xdc: {  	[timem:s3], [sflag:s2] =	dma.local @!p0 [hbm:s0], s1  }
0xdd: {  	s0 =	simm.s32 @!p0 $0xF  }
0xde: {  	_ =	swait.ge @!p0 [sflag:s0], s1  }
0xdf: {  	s1 =	ssub.s32 @!p0 $0x0, s1;
	[sflag:s0] =	ssyncset.done @!p0 $0x0  }
0xe0: {  	[sflag:s0] =	ssyncadd.s32 @!p0 s1  }
0xe1: {  	[bflag:$0x3] =	sbarrier.arrive $0xFFFF  }
0xe2: {  	_ =	shalt  }

</sc_bundles>
